<compile_context>
chip_gen: v7x
topology: tpu7x:2x2x1
jax: 0.10.2.dev20260603
libtpu: 0.0.44.dev20260713+nightly
codegen_flags: <defaults>
</compile_context>

<pallas_src>
import functools

import jax
import jax.numpy as jnp
from jax import lax
from jax.experimental import pallas as pl
from jax.experimental.pallas import tpu as pltpu
from jax.experimental.pallas import tpu_sc as plsc

VOCAB = 1000000
D = 64
CTX = 200

NC = 2
NS = 16
NW = NC * NS
ROWS_PER_W = 8
CTX_PAD = (NW + 1) * ROWS_PER_W
ACTIVE_W = CTX // ROWS_PER_W

BN = 49152


def _sc_gather_mean(ctx_pad, in_emb_t):
    mesh = plsc.VectorSubcoreMesh(core_axis_name="c", subcore_axis_name="s")

    @functools.partial(
        pl.kernel,
        out_type=jax.ShapeDtypeStruct((NW, D), jnp.float32),
        mesh=mesh,
        scratch_types=[
            pltpu.VMEM((16,), jnp.int32),
            pltpu.VMEM((ROWS_PER_W, D, 128), jnp.float32),
            pltpu.VMEM((D,), jnp.float32),
            pltpu.SemaphoreType.DMA,
        ],
        compiler_params=pltpu.CompilerParams(needs_layout_passes=False),
    )
    def k(ctx_hbm, emb_hbm, out_hbm, idx_v, win_v, acc_v, sem):
        wid = lax.axis_index("s") * NC + lax.axis_index("c")
        base = wid * ROWS_PER_W
        pltpu.sync_copy(ctx_hbm.at[pl.ds(base, 16)], idx_v)
        idx_vec = idx_v[...]
        lanes = lax.iota(jnp.int32, 16)
        offs = []
        copies = []
        for j in range(ROWS_PER_W):
            ij = jnp.sum(idx_vec * (lanes == j).astype(jnp.int32))
            ws = pl.multiple_of((ij // 128) * 128, 128)
            offs.append(ij - ws)
            copies.append(
                pltpu.async_copy(
                    emb_hbm.at[:, pl.ds(ws, 128)], win_v.at[j], sem
                )
            )
        for cp in copies:
            cp.wait()
        scale = jnp.where(wid < ACTIVE_W, jnp.float32(1.0 / CTX), jnp.float32(0.0))
        for c in range(D // 16):
            row_idx = lax.iota(jnp.int32, 16) + (c * 16)
            s = None
            for j in range(ROWS_PER_W):
                col_idx = jnp.broadcast_to(offs[j], (16,))
                x = plsc.load_gather(win_v.at[j], [row_idx, col_idx])
                s = x if s is None else s + x
            acc_v[pl.ds(c * 16, 16)] = s * scale
        pltpu.sync_copy(acc_v, out_hbm.at[wid])

    return k(ctx_pad, in_emb_t)


def _tc_matvec(partials, out_emb_t):
    grid = pl.cdiv(VOCAB, BN)

    def body(part_ref, emb_ref, out_ref):
        v = jnp.sum(part_ref[...], axis=0).reshape(1, D)
        out_ref[...] = jax.lax.dot_general(
            v, emb_ref[...], (((1,), (0,)), ((), ())),
            preferred_element_type=jnp.float32).reshape(BN)

    return pl.pallas_call(
        body,
        grid=(grid,),
        in_specs=[
            pl.BlockSpec((NW, D), lambda i: (0, 0)),
            pl.BlockSpec((D, BN), lambda i: (0, i)),
        ],
        out_specs=pl.BlockSpec((BN,), lambda i: (i,)),
        out_shape=jax.ShapeDtypeStruct((VOCAB,), jnp.float32),
    )(partials, out_emb_t)


def kernel(context, in_emb, out_emb):
    ctx_pad = jnp.zeros((CTX_PAD,), jnp.int32).at[:CTX].set(context.astype(jnp.int32))
    partials = _sc_gather_mean(ctx_pad, in_emb.T)
    return _tc_matvec(partials, out_emb.T)

# --- scband reference (transcript-rebuilt; emitter-appended) ---
"""Pipeline reference for scband-cbow-41094247088487 (READ-ONLY COPY).

The authoritative reference and input builder live on the scoring server;
editing this copy changes nothing except your own understanding.
"""

import jax, jax.numpy as jnp
import numpy as np

VOCAB = 1000000
EMBED_DIM = 64
CTX_LEN = 200

def setup_inputs(seed: int = 0) -> dict:
    key = jax.random.key(seed)
    k1, k2, k3 = jax.random.split(key, 3)
    context = jax.random.randint(k1, (CTX_LEN,), 0, VOCAB, dtype=jnp.int64 if jax.config.jax_enable_x64 else jnp.int32)
    in_emb = jax.random.normal(k2, (VOCAB, EMBED_DIM), dtype=jnp.float32) * 0.02
    out_emb = jax.random.normal(k3, (VOCAB, EMBED_DIM), dtype=jnp.float32) * 0.02
    return {"context": context, "in_emb": in_emb, "out_emb": out_emb}

def reference(context, in_emb, out_emb):
    # CBOW forward: gather context embeddings, mean over context dim,
    # then score against every output embedding (matrix-vector product).
    v = jnp.take(in_emb, context, axis=0).mean(axis=0)  # [EMBED_DIM]
    scores = out_emb @ v  # [VOCAB]
    return scores

if __name__ == "__main__":
    import jax
    _d = setup_inputs()
    print(jax.jit(kernel)(*tuple(_d.values())))

</pallas_src>

<mosaic_0001>
#map = affine_map<(d0, d1) -> (0)>
#map1 = affine_map<(d0, d1) -> (0, 0)>
module attributes {stable_mosaic.version = 14 : i64} {
  func.func @k(%arg0: i32, %arg1: i32, %arg2: memref<264xi32, #tpu.memory_space<hbm>>, %arg3: memref<64x1000000xf32, #tpu.memory_space<hbm>>, %arg4: memref<32x64xf32, #tpu.memory_space<hbm>>, %arg5: memref<16xi32, #tpu.memory_space<vmem>>, %arg6: memref<8x64x128xf32, #tpu.memory_space<vmem>>, %arg7: memref<64xf32, #tpu.memory_space<vmem>>, %arg8: memref<!tpu.dma_semaphore, #tpu.memory_space<semaphore_mem>>) attributes {dimension_semantics = [#tpu.dimension_semantics<core_parallel>, #tpu.dimension_semantics<subcore_parallel>], iteration_bounds = array<i64: 2, 16>, scalar_prefetch = 0 : i64, scratch_operands = 4 : i64, tpu.core_type = #tpu.core_type<sc_vector_subcore>, window_params = [{transform_indices = #map}, {transform_indices = #map1}, {transform_indices = #map1}]} {
    %mul3A = arith.constant 2 : i32
    %mul3A_0 = arith.muli %arg1, %mul3A : i32
    %add3A = arith.addi %mul3A_0, %arg0 : i32
    %mul3A_1 = arith.constant 8 : i32
    %mul3A_2 = arith.muli %add3A, %mul3A_1 : i32
    "tpu.region"() ({
      %run_scoped3A = tpu.sem_alloc : memref<!tpu.dma_semaphore, #tpu.memory_space<semaphore_mem>>
      %dma_start3A_779 = tpu.memref_slice %arg2[%mul3A_2] : memref<264xi32, #tpu.memory_space<hbm>> -> memref<16xi32, #tpu.memory_space<hbm>>
      %dma_start3A_780 = tpu.memref_slice %arg2[%mul3A_2] : memref<264xi32, #tpu.memory_space<hbm>> -> memref<16xi32, #tpu.memory_space<hbm>>
      tpu.enqueue_dma source(%dma_start3A_780 : memref<16xi32, #tpu.memory_space<hbm>>) target(%arg5 : memref<16xi32, #tpu.memory_space<vmem>>) target_semaphore(%run_scoped3A : memref<!tpu.dma_semaphore, #tpu.memory_space<semaphore_mem>>)
      %dma_wait3A_781 = tpu.memref_slice %arg2[%mul3A_2] : memref<264xi32, #tpu.memory_space<hbm>> -> memref<16xi32, #tpu.memory_space<hbm>>
      %dma_wait3A_782 = tpu.memref_slice %arg2[%mul3A_2] : memref<264xi32, #tpu.memory_space<hbm>> -> memref<16xi32, #tpu.memory_space<hbm>>
      tpu.wait_dma2 semaphore(%run_scoped3A : memref<!tpu.dma_semaphore, #tpu.memory_space<semaphore_mem>>) src(%dma_wait3A_782 : memref<16xi32, #tpu.memory_space<hbm>>) dst(%arg5 : memref<16xi32, #tpu.memory_space<vmem>>)
      tpu.yield
    }) : () -> ()
    %get3A = arith.constant 0 : index
    %get3A_3 = tpu.vector_load %arg5[%get3A] {strides = array<i32>} : memref<16xi32, #tpu.memory_space<vmem>>, vector<16xi32>,
    %iota3A = tpu.iota {dimensions = array<i32: 0>} : vector<16xi32>
    %eq3A = arith.constant 0 : i32
    %eq3A_4 = vector.broadcast %eq3A : i32 to vector<16xi32>
    %eq3A_5 = arith.cmpi eq, %iota3A, %eq3A_4 : vector<16xi32>
    %convert_element_type3A = arith.extui %eq3A_5 : vector<16xi1> to vector<16xi32>
    %mul3A_6 = arith.muli %get3A_3, %convert_element_type3A : vector<16xi32>
    %reduce_sum3A = arith.constant true
    %reduce_sum3A_7 = vector.broadcast %reduce_sum3A : i1 to vector<16xi1>
    %reduce_sum3A_8 = tpu.scan <sum>, %mul3A_6 masked %reduce_sum3A_7 : vector<16xi32>, vector<16xi1> -> vector<16xi32>
    %reduce_sum3A_9 = vector.extract %reduce_sum3A_8[15] : i32 from vector<16xi32>
    %jit3A = arith.constant 128 : i32
    %div3A = arith.divsi %reduce_sum3A_9, %jit3A : i32
    %sign3A = arith.constant 0 : i32
    %sign3A_10 = arith.cmpi sgt, %reduce_sum3A_9, %sign3A : i32
    %sign3A_11 = arith.extui %sign3A_10 : i1 to i32
    %sign3A_12 = arith.constant 0 : i32
    %sign3A_13 = arith.cmpi slt, %reduce_sum3A_9, %sign3A_12 : i32
    %sign3A_14 = arith.extui %sign3A_13 : i1 to i32
    %sign3A_15 = arith.subi %sign3A_11, %sign3A_14 : i32
    %sign3A_16 = arith.constant 0 : i32
    %sign3A_17 = arith.cmpi sgt, %jit3A, %sign3A_16 : i32
    %sign3A_18 = arith.extui %sign3A_17 : i1 to i32
    %sign3A_19 = arith.constant 0 : i32
    %sign3A_20 = arith.cmpi slt, %jit3A, %sign3A_19 : i32
    %sign3A_21 = arith.extui %sign3A_20 : i1 to i32
    %sign3A_22 = arith.subi %sign3A_18, %sign3A_21 : i32
    %ne3A = arith.cmpi ne, %sign3A_15, %sign3A_22 : i32
    %rem3A = arith.remsi %reduce_sum3A_9, %jit3A : i32
    %ne3A_23 = arith.constant 0 : i32
    %ne3A_24 = arith.cmpi ne, %rem3A, %ne3A_23 : i32
    %and3A = arith.andi %ne3A, %ne3A_24 : i1
    %sub3A = arith.constant 1 : i32
    %sub3A_25 = arith.subi %div3A, %sub3A : i32
    %select_n3A = arith.select %and3A, %sub3A_25, %div3A : i32
    %mul3A_26 = arith.constant 128 : i32
    %mul3A_27 = arith.muli %select_n3A, %mul3A_26 : i32
    %multiple_of3A = tpu.assume_multiple %mul3A_27, 128 : i32
    %sub3A_28 = arith.subi %reduce_sum3A_9, %multiple_of3A : i32
    %dma_start3A = arith.constant 0 : i32
    %dma_start3A_29 = arith.constant 0 : i32
    %dma_start3A_30 = arith.constant 0 : i32
    %dma_start3A_31 = tpu.memref_slice %arg6[%dma_start3A, %dma_start3A_29, %dma_start3A_30] : memref<8x64x128xf32, #tpu.memory_space<vmem>> -> memref<1x64x128xf32, #tpu.memory_space<vmem>>
    %dma_start3A_32 = tpu.memref_squeeze %dma_start3A_31 : memref<1x64x128xf32, #tpu.memory_space<vmem>> -> memref<64x128xf32, #tpu.memory_space<vmem>>
    %dma_start3A_33 = arith.constant 0 : i32
    %dma_start3A_34 = tpu.memref_slice %arg3[%dma_start3A_33, %multiple_of3A] : memref<64x1000000xf32, #tpu.memory_space<hbm>> -> memref<64x128xf32, #tpu.memory_space<hbm>>
    %dma_start3A_35 = arith.constant 0 : i32
    %dma_start3A_36 = arith.constant 0 : i32
    %dma_start3A_37 = tpu.memref_slice %arg6[%dma_start3A, %dma_start3A_35, %dma_start3A_36] : memref<8x64x128xf32, #tpu.memory_space<vmem>> -> memref<1x64x128xf32, #tpu.memory_space<vmem>>
    %dma_start3A_38 = tpu.memref_squeeze %dma_start3A_37 : memref<1x64x128xf32, #tpu.memory_space<vmem>> -> memref<64x128xf32, #tpu.memory_space<vmem>>
    %dma_start3A_39 = arith.constant 0 : i32
    %dma_start3A_40 = tpu.memref_slice %arg3[%dma_start3A_39, %multiple_of3A] : memref<64x1000000xf32, #tpu.memory_space<hbm>> -> memref<64x128xf32, #tpu.memory_space<hbm>>
    tpu.enqueue_dma source(%dma_start3A_40 : memref<64x128xf32, #tpu.memory_space<hbm>>) target(%dma_start3A_38 : memref<64x128xf32, #tpu.memory_space<vmem>>) target_semaphore(%arg8 : memref<!tpu.dma_semaphore, #tpu.memory_space<semaphore_mem>>)
    %eq3A_41 = arith.constant 1 : i32
    %eq3A_42 = vector.broadcast %eq3A_41 : i32 to vector<16xi32>
    %eq3A_43 = arith.cmpi eq, %iota3A, %eq3A_42 : vector<16xi32>
    %convert_element_type3A_44 = arith.extui %eq3A_43 : vector<16xi1> to vector<16xi32>
    %mul3A_45 = arith.muli %get3A_3, %convert_element_type3A_44 : vector<16xi32>
    %reduce_sum3A_46 = arith.constant true
    %reduce_sum3A_47 = vector.broadcast %reduce_sum3A_46 : i1 to vector<16xi1>
    %reduce_sum3A_48 = tpu.scan <sum>, %mul3A_45 masked %reduce_sum3A_47 : vector<16xi32>, vector<16xi1> -> vector<16xi32>
    %reduce_sum3A_49 = vector.extract %reduce_sum3A_48[15] : i32 from vector<16xi32>
    %jit3A_50 = arith.constant 128 : i32
    %div3A_51 = arith.divsi %reduce_sum3A_49, %jit3A_50 : i32
    %sign3A_52 = arith.constant 0 : i32
    %sign3A_53 = arith.cmpi sgt, %reduce_sum3A_49, %sign3A_52 : i32
    %sign3A_54 = arith.extui %sign3A_53 : i1 to i32
    %sign3A_55 = arith.constant 0 : i32
    %sign3A_56 = arith.cmpi slt, %reduce_sum3A_49, %sign3A_55 : i32
    %sign3A_57 = arith.extui %sign3A_56 : i1 to i32
    %sign3A_58 = arith.subi %sign3A_54, %sign3A_57 : i32
    %sign3A_59 = arith.constant 0 : i32
    %sign3A_60 = arith.cmpi sgt, %jit3A_50, %sign3A_59 : i32
    %sign3A_61 = arith.extui %sign3A_60 : i1 to i32
    %sign3A_62 = arith.constant 0 : i32
    %sign3A_63 = arith.cmpi slt, %jit3A_50, %sign3A_62 : i32
    %sign3A_64 = arith.extui %sign3A_63 : i1 to i32
    %sign3A_65 = arith.subi %sign3A_61, %sign3A_64 : i32
    %ne3A_66 = arith.cmpi ne, %sign3A_58, %sign3A_65 : i32
    %rem3A_67 = arith.remsi %reduce_sum3A_49, %jit3A_50 : i32
    %ne3A_68 = arith.constant 0 : i32
    %ne3A_69 = arith.cmpi ne, %rem3A_67, %ne3A_68 : i32
    %and3A_70 = arith.andi %ne3A_66, %ne3A_69 : i1
    %sub3A_71 = arith.constant 1 : i32
    %sub3A_72 = arith.subi %div3A_51, %sub3A_71 : i32
    %select_n3A_73 = arith.select %and3A_70, %sub3A_72, %div3A_51 : i32
    %mul3A_74 = arith.constant 128 : i32
    %mul3A_75 = arith.muli %select_n3A_73, %mul3A_74 : i32
    %multiple_of3A_76 = tpu.assume_multiple %mul3A_75, 128 : i32
    %sub3A_77 = arith.subi %reduce_sum3A_49, %multiple_of3A_76 : i32
    %dma_start3A_78 = arith.constant 1 : i32
    %dma_start3A_79 = arith.constant 0 : i32
    %dma_start3A_80 = arith.constant 0 : i32
    %dma_start3A_81 = tpu.memref_slice %arg6[%dma_start3A_78, %dma_start3A_79, %dma_start3A_80] : memref<8x64x128xf32, #tpu.memory_space<vmem>> -> memref<1x64x128xf32, #tpu.memory_space<vmem>>
    %dma_start3A_82 = tpu.memref_squeeze %dma_start3A_81 : memref<1x64x128xf32, #tpu.memory_space<vmem>> -> memref<64x128xf32, #tpu.memory_space<vmem>>
    %dma_start3A_83 = arith.constant 0 : i32
    %dma_start3A_84 = tpu.memref_slice %arg3[%dma_start3A_83, %multiple_of3A_76] : memref<64x1000000xf32, #tpu.memory_space<hbm>> -> memref<64x128xf32, #tpu.memory_space<hbm>>
    %dma_start3A_85 = arith.constant 0 : i32
    %dma_start3A_86 = arith.constant 0 : i32
    %dma_start3A_87 = tpu.memref_slice %arg6[%dma_start3A_78, %dma_start3A_85, %dma_start3A_86] : memref<8x64x128xf32, #tpu.memory_space<vmem>> -> memref<1x64x128xf32, #tpu.memory_space<vmem>>
    %dma_start3A_88 = tpu.memref_squeeze %dma_start3A_87 : memref<1x64x128xf32, #tpu.memory_space<vmem>> -> memref<64x128xf32, #tpu.memory_space<vmem>>
    %dma_start3A_89 = arith.constant 0 : i32
    %dma_start3A_90 = tpu.memref_slice %arg3[%dma_start3A_89, %multiple_of3A_76] : memref<64x1000000xf32, #tpu.memory_space<hbm>> -> memref<64x128xf32, #tpu.memory_space<hbm>>
    tpu.enqueue_dma source(%dma_start3A_90 : memref<64x128xf32, #tpu.memory_space<hbm>>) target(%dma_start3A_88 : memref<64x128xf32, #tpu.memory_space<vmem>>) target_semaphore(%arg8 : memref<!tpu.dma_semaphore, #tpu.memory_space<semaphore_mem>>)
    %eq3A_91 = arith.constant 2 : i32
    %eq3A_92 = vector.broadcast %eq3A_91 : i32 to vector<16xi32>
    %eq3A_93 = arith.cmpi eq, %iota3A, %eq3A_92 : vector<16xi32>
    %convert_element_type3A_94 = arith.extui %eq3A_93 : vector<16xi1> to vector<16xi32>
    %mul3A_95 = arith.muli %get3A_3, %convert_element_type3A_94 : vector<16xi32>
    %reduce_sum3A_96 = arith.constant true
    %reduce_sum3A_97 = vector.broadcast %reduce_sum3A_96 : i1 to vector<16xi1>
    %reduce_sum3A_98 = tpu.scan <sum>, %mul3A_95 masked %reduce_sum3A_97 : vector<16xi32>, vector<16xi1> -> vector<16xi32>
    %reduce_sum3A_99 = vector.extract %reduce_sum3A_98[15] : i32 from vector<16xi32>
    %jit3A_100 = arith.constant 128 : i32
    %div3A_101 = arith.divsi %reduce_sum3A_99, %jit3A_100 : i32
    %sign3A_102 = arith.constant 0 : i32
    %sign3A_103 = arith.cmpi sgt, %reduce_sum3A_99, %sign3A_102 : i32
    %sign3A_104 = arith.extui %sign3A_103 : i1 to i32
    %sign3A_105 = arith.constant 0 : i32
    %sign3A_106 = arith.cmpi slt, %reduce_sum3A_99, %sign3A_105 : i32
    %sign3A_107 = arith.extui %sign3A_106 : i1 to i32
    %sign3A_108 = arith.subi %sign3A_104, %sign3A_107 : i32
    %sign3A_109 = arith.constant 0 : i32
    %sign3A_110 = arith.cmpi sgt, %jit3A_100, %sign3A_109 : i32
    %sign3A_111 = arith.extui %sign3A_110 : i1 to i32
    %sign3A_112 = arith.constant 0 : i32
    %sign3A_113 = arith.cmpi slt, %jit3A_100, %sign3A_112 : i32
    %sign3A_114 = arith.extui %sign3A_113 : i1 to i32
    %sign3A_115 = arith.subi %sign3A_111, %sign3A_114 : i32
    %ne3A_116 = arith.cmpi ne, %sign3A_108, %sign3A_115 : i32
    %rem3A_117 = arith.remsi %reduce_sum3A_99, %jit3A_100 : i32
    %ne3A_118 = arith.constant 0 : i32
    %ne3A_119 = arith.cmpi ne, %rem3A_117, %ne3A_118 : i32
    %and3A_120 = arith.andi %ne3A_116, %ne3A_119 : i1
    %sub3A_121 = arith.constant 1 : i32
    %sub3A_122 = arith.subi %div3A_101, %sub3A_121 : i32
    %select_n3A_123 = arith.select %and3A_120, %sub3A_122, %div3A_101 : i32
    %mul3A_124 = arith.constant 128 : i32
    %mul3A_125 = arith.muli %select_n3A_123, %mul3A_124 : i32
    %multiple_of3A_126 = tpu.assume_multiple %mul3A_125, 128 : i32
    %sub3A_127 = arith.subi %reduce_sum3A_99, %multiple_of3A_126 : i32
    %dma_start3A_128 = arith.constant 2 : i32
    %dma_start3A_129 = arith.constant 0 : i32
    %dma_start3A_130 = arith.constant 0 : i32
    %dma_start3A_131 = tpu.memref_slice %arg6[%dma_start3A_128, %dma_start3A_129, %dma_start3A_130] : memref<8x64x128xf32, #tpu.memory_space<vmem>> -> memref<1x64x128xf32, #tpu.memory_space<vmem>>
    %dma_start3A_132 = tpu.memref_squeeze %dma_start3A_131 : memref<1x64x128xf32, #tpu.memory_space<vmem>> -> memref<64x128xf32, #tpu.memory_space<vmem>>
    %dma_start3A_133 = arith.constant 0 : i32
    %dma_start3A_134 = tpu.memref_slice %arg3[%dma_start3A_133, %multiple_of3A_126] : memref<64x1000000xf32, #tpu.memory_space<hbm>> -> memref<64x128xf32, #tpu.memory_space<hbm>>
    %dma_start3A_135 = arith.constant 0 : i32
    %dma_start3A_136 = arith.constant 0 : i32
    %dma_start3A_137 = tpu.memref_slice %arg6[%dma_start3A_128, %dma_start3A_135, %dma_start3A_136] : memref<8x64x128xf32, #tpu.memory_space<vmem>> -> memref<1x64x128xf32, #tpu.memory_space<vmem>>
    %dma_start3A_138 = tpu.memref_squeeze %dma_start3A_137 : memref<1x64x128xf32, #tpu.memory_space<vmem>> -> memref<64x128xf32, #tpu.memory_space<vmem>>
    %dma_start3A_139 = arith.constant 0 : i32
    %dma_start3A_140 = tpu.memref_slice %arg3[%dma_start3A_139, %multiple_of3A_126] : memref<64x1000000xf32, #tpu.memory_space<hbm>> -> memref<64x128xf32, #tpu.memory_space<hbm>>
    tpu.enqueue_dma source(%dma_start3A_140 : memref<64x128xf32, #tpu.memory_space<hbm>>) target(%dma_start3A_138 : memref<64x128xf32, #tpu.memory_space<vmem>>) target_semaphore(%arg8 : memref<!tpu.dma_semaphore, #tpu.memory_space<semaphore_mem>>)
    %eq3A_141 = arith.constant 3 : i32
    %eq3A_142 = vector.broadcast %eq3A_141 : i32 to vector<16xi32>
    %eq3A_143 = arith.cmpi eq, %iota3A, %eq3A_142 : vector<16xi32>
    %convert_element_type3A_144 = arith.extui %eq3A_143 : vector<16xi1> to vector<16xi32>
    %mul3A_145 = arith.muli %get3A_3, %convert_element_type3A_144 : vector<16xi32>
    %reduce_sum3A_146 = arith.constant true
    %reduce_sum3A_147 = vector.broadcast %reduce_sum3A_146 : i1 to vector<16xi1>
    %reduce_sum3A_148 = tpu.scan <sum>, %mul3A_145 masked %reduce_sum3A_147 : vector<16xi32>, vector<16xi1> -> vector<16xi32>
    %reduce_sum3A_149 = vector.extract %reduce_sum3A_148[15] : i32 from vector<16xi32>
    %jit3A_150 = arith.constant 128 : i32
    %div3A_151 = arith.divsi %reduce_sum3A_149, %jit3A_150 : i32
    %sign3A_152 = arith.constant 0 : i32
    %sign3A_153 = arith.cmpi sgt, %reduce_sum3A_149, %sign3A_152 : i32
    %sign3A_154 = arith.extui %sign3A_153 : i1 to i32
    %sign3A_155 = arith.constant 0 : i32
    %sign3A_156 = arith.cmpi slt, %reduce_sum3A_149, %sign3A_155 : i32
    %sign3A_157 = arith.extui %sign3A_156 : i1 to i32
    %sign3A_158 = arith.subi %sign3A_154, %sign3A_157 : i32
    %sign3A_159 = arith.constant 0 : i32
    %sign3A_160 = arith.cmpi sgt, %jit3A_150, %sign3A_159 : i32
    %sign3A_161 = arith.extui %sign3A_160 : i1 to i32
    %sign3A_162 = arith.constant 0 : i32
    %sign3A_163 = arith.cmpi slt, %jit3A_150, %sign3A_162 : i32
    %sign3A_164 = arith.extui %sign3A_163 : i1 to i32
    %sign3A_165 = arith.subi %sign3A_161, %sign3A_164 : i32
    %ne3A_166 = arith.cmpi ne, %sign3A_158, %sign3A_165 : i32
    %rem3A_167 = arith.remsi %reduce_sum3A_149, %jit3A_150 : i32
    %ne3A_168 = arith.constant 0 : i32
    %ne3A_169 = arith.cmpi ne, %rem3A_167, %ne3A_168 : i32
    %and3A_170 = arith.andi %ne3A_166, %ne3A_169 : i1
    %sub3A_171 = arith.constant 1 : i32
    %sub3A_172 = arith.subi %div3A_151, %sub3A_171 : i32
    %select_n3A_173 = arith.select %and3A_170, %sub3A_172, %div3A_151 : i32
    %mul3A_174 = arith.constant 128 : i32
    %mul3A_175 = arith.muli %select_n3A_173, %mul3A_174 : i32
    %multiple_of3A_176 = tpu.assume_multiple %mul3A_175, 128 : i32
    %sub3A_177 = arith.subi %reduce_sum3A_149, %multiple_of3A_176 : i32
    %dma_start3A_178 = arith.constant 3 : i32
    %dma_start3A_179 = arith.constant 0 : i32
    %dma_start3A_180 = arith.constant 0 : i32
    %dma_start3A_181 = tpu.memref_slice %arg6[%dma_start3A_178, %dma_start3A_179, %dma_start3A_180] : memref<8x64x128xf32, #tpu.memory_space<vmem>> -> memref<1x64x128xf32, #tpu.memory_space<vmem>>
    %dma_start3A_182 = tpu.memref_squeeze %dma_start3A_181 : memref<1x64x128xf32, #tpu.memory_space<vmem>> -> memref<64x128xf32, #tpu.memory_space<vmem>>
    %dma_start3A_183 = arith.constant 0 : i32
    %dma_start3A_184 = tpu.memref_slice %arg3[%dma_start3A_183, %multiple_of3A_176] : memref<64x1000000xf32, #tpu.memory_space<hbm>> -> memref<64x128xf32, #tpu.memory_space<hbm>>
    %dma_start3A_185 = arith.constant 0 : i32
    %dma_start3A_186 = arith.constant 0 : i32
    %dma_start3A_187 = tpu.memref_slice %arg6[%dma_start3A_178, %dma_start3A_185, %dma_start3A_186] : memref<8x64x128xf32, #tpu.memory_space<vmem>> -> memref<1x64x128xf32, #tpu.memory_space<vmem>>
    %dma_start3A_188 = tpu.memref_squeeze %dma_start3A_187 : memref<1x64x128xf32, #tpu.memory_space<vmem>> -> memref<64x128xf32, #tpu.memory_space<vmem>>
    %dma_start3A_189 = arith.constant 0 : i32
    %dma_start3A_190 = tpu.memref_slice %arg3[%dma_start3A_189, %multiple_of3A_176] : memref<64x1000000xf32, #tpu.memory_space<hbm>> -> memref<64x128xf32, #tpu.memory_space<hbm>>
    tpu.enqueue_dma source(%dma_start3A_190 : memref<64x128xf32, #tpu.memory_space<hbm>>) target(%dma_start3A_188 : memref<64x128xf32, #tpu.memory_space<vmem>>) target_semaphore(%arg8 : memref<!tpu.dma_semaphore, #tpu.memory_space<semaphore_mem>>)
    %eq3A_191 = arith.constant 4 : i32
    %eq3A_192 = vector.broadcast %eq3A_191 : i32 to vector<16xi32>
    %eq3A_193 = arith.cmpi eq, %iota3A, %eq3A_192 : vector<16xi32>
    %convert_element_type3A_194 = arith.extui %eq3A_193 : vector<16xi1> to vector<16xi32>
    %mul3A_195 = arith.muli %get3A_3, %convert_element_type3A_194 : vector<16xi32>
    %reduce_sum3A_196 = arith.constant true
    %reduce_sum3A_197 = vector.broadcast %reduce_sum3A_196 : i1 to vector<16xi1>
    %reduce_sum3A_198 = tpu.scan <sum>, %mul3A_195 masked %reduce_sum3A_197 : vector<16xi32>, vector<16xi1> -> vector<16xi32>
    %reduce_sum3A_199 = vector.extract %reduce_sum3A_198[15] : i32 from vector<16xi32>
    %jit3A_200 = arith.constant 128 : i32
    %div3A_201 = arith.divsi %reduce_sum3A_199, %jit3A_200 : i32
    %sign3A_202 = arith.constant 0 : i32
    %sign3A_203 = arith.cmpi sgt, %reduce_sum3A_199, %sign3A_202 : i32
    %sign3A_204 = arith.extui %sign3A_203 : i1 to i32
    %sign3A_205 = arith.constant 0 : i32
    %sign3A_206 = arith.cmpi slt, %reduce_sum3A_199, %sign3A_205 : i32
    %sign3A_207 = arith.extui %sign3A_206 : i1 to i32
    %sign3A_208 = arith.subi %sign3A_204, %sign3A_207 : i32
    %sign3A_209 = arith.constant 0 : i32
    %sign3A_210 = arith.cmpi sgt, %jit3A_200, %sign3A_209 : i32
    %sign3A_211 = arith.extui %sign3A_210 : i1 to i32
    %sign3A_212 = arith.constant 0 : i32
    %sign3A_213 = arith.cmpi slt, %jit3A_200, %sign3A_212 : i32
    %sign3A_214 = arith.extui %sign3A_213 : i1 to i32
    %sign3A_215 = arith.subi %sign3A_211, %sign3A_214 : i32
    %ne3A_216 = arith.cmpi ne, %sign3A_208, %sign3A_215 : i32
    %rem3A_217 = arith.remsi %reduce_sum3A_199, %jit3A_200 : i32
    %ne3A_218 = arith.constant 0 : i32
    %ne3A_219 = arith.cmpi ne, %rem3A_217, %ne3A_218 : i32
    %and3A_220 = arith.andi %ne3A_216, %ne3A_219 : i1
    %sub3A_221 = arith.constant 1 : i32
    %sub3A_222 = arith.subi %div3A_201, %sub3A_221 : i32
    %select_n3A_223 = arith.select %and3A_220, %sub3A_222, %div3A_201 : i32
    %mul3A_224 = arith.constant 128 : i32
    %mul3A_225 = arith.muli %select_n3A_223, %mul3A_224 : i32
    %multiple_of3A_226 = tpu.assume_multiple %mul3A_225, 128 : i32
    %sub3A_227 = arith.subi %reduce_sum3A_199, %multiple_of3A_226 : i32
    %dma_start3A_228 = arith.constant 4 : i32
    %dma_start3A_229 = arith.constant 0 : i32
    %dma_start3A_230 = arith.constant 0 : i32
    %dma_start3A_231 = tpu.memref_slice %arg6[%dma_start3A_228, %dma_start3A_229, %dma_start3A_230] : memref<8x64x128xf32, #tpu.memory_space<vmem>> -> memref<1x64x128xf32, #tpu.memory_space<vmem>>
    %dma_start3A_232 = tpu.memref_squeeze %dma_start3A_231 : memref<1x64x128xf32, #tpu.memory_space<vmem>> -> memref<64x128xf32, #tpu.memory_space<vmem>>
    %dma_start3A_233 = arith.constant 0 : i32
    %dma_start3A_234 = tpu.memref_slice %arg3[%dma_start3A_233, %multiple_of3A_226] : memref<64x1000000xf32, #tpu.memory_space<hbm>> -> memref<64x128xf32, #tpu.memory_space<hbm>>
    %dma_start3A_235 = arith.constant 0 : i32
    %dma_start3A_236 = arith.constant 0 : i32
    %dma_start3A_237 = tpu.memref_slice %arg6[%dma_start3A_228, %dma_start3A_235, %dma_start3A_236] : memref<8x64x128xf32, #tpu.memory_space<vmem>> -> memref<1x64x128xf32, #tpu.memory_space<vmem>>
    %dma_start3A_238 = tpu.memref_squeeze %dma_start3A_237 : memref<1x64x128xf32, #tpu.memory_space<vmem>> -> memref<64x128xf32, #tpu.memory_space<vmem>>
    %dma_start3A_239 = arith.constant 0 : i32
    %dma_start3A_240 = tpu.memref_slice %arg3[%dma_start3A_239, %multiple_of3A_226] : memref<64x1000000xf32, #tpu.memory_space<hbm>> -> memref<64x128xf32, #tpu.memory_space<hbm>>
    tpu.enqueue_dma source(%dma_start3A_240 : memref<64x128xf32, #tpu.memory_space<hbm>>) target(%dma_start3A_238 : memref<64x128xf32, #tpu.memory_space<vmem>>) target_semaphore(%arg8 : memref<!tpu.dma_semaphore, #tpu.memory_space<semaphore_mem>>)
    %eq3A_241 = arith.constant 5 : i32
    %eq3A_242 = vector.broadcast %eq3A_241 : i32 to vector<16xi32>
    %eq3A_243 = arith.cmpi eq, %iota3A, %eq3A_242 : vector<16xi32>
    %convert_element_type3A_244 = arith.extui %eq3A_243 : vector<16xi1> to vector<16xi32>
    %mul3A_245 = arith.muli %get3A_3, %convert_element_type3A_244 : vector<16xi32>
    %reduce_sum3A_246 = arith.constant true
    %reduce_sum3A_247 = vector.broadcast %reduce_sum3A_246 : i1 to vector<16xi1>
    %reduce_sum3A_248 = tpu.scan <sum>, %mul3A_245 masked %reduce_sum3A_247 : vector<16xi32>, vector<16xi1> -> vector<16xi32>
    %reduce_sum3A_249 = vector.extract %reduce_sum3A_248[15] : i32 from vector<16xi32>
    %jit3A_250 = arith.constant 128 : i32
    %div3A_251 = arith.divsi %reduce_sum3A_249, %jit3A_250 : i32
    %sign3A_252 = arith.constant 0 : i32
    %sign3A_253 = arith.cmpi sgt, %reduce_sum3A_249, %sign3A_252 : i32
    %sign3A_254 = arith.extui %sign3A_253 : i1 to i32
    %sign3A_255 = arith.constant 0 : i32
    %sign3A_256 = arith.cmpi slt, %reduce_sum3A_249, %sign3A_255 : i32
    %sign3A_257 = arith.extui %sign3A_256 : i1 to i32
    %sign3A_258 = arith.subi %sign3A_254, %sign3A_257 : i32
    %sign3A_259 = arith.constant 0 : i32
    %sign3A_260 = arith.cmpi sgt, %jit3A_250, %sign3A_259 : i32
    %sign3A_261 = arith.extui %sign3A_260 : i1 to i32
    %sign3A_262 = arith.constant 0 : i32
    %sign3A_263 = arith.cmpi slt, %jit3A_250, %sign3A_262 : i32
    %sign3A_264 = arith.extui %sign3A_263 : i1 to i32
    %sign3A_265 = arith.subi %sign3A_261, %sign3A_264 : i32
    %ne3A_266 = arith.cmpi ne, %sign3A_258, %sign3A_265 : i32
    %rem3A_267 = arith.remsi %reduce_sum3A_249, %jit3A_250 : i32
    %ne3A_268 = arith.constant 0 : i32
    %ne3A_269 = arith.cmpi ne, %rem3A_267, %ne3A_268 : i32
    %and3A_270 = arith.andi %ne3A_266, %ne3A_269 : i1
    %sub3A_271 = arith.constant 1 : i32
    %sub3A_272 = arith.subi %div3A_251, %sub3A_271 : i32
    %select_n3A_273 = arith.select %and3A_270, %sub3A_272, %div3A_251 : i32
    %mul3A_274 = arith.constant 128 : i32
    %mul3A_275 = arith.muli %select_n3A_273, %mul3A_274 : i32
    %multiple_of3A_276 = tpu.assume_multiple %mul3A_275, 128 : i32
    %sub3A_277 = arith.subi %reduce_sum3A_249, %multiple_of3A_276 : i32
    %dma_start3A_278 = arith.constant 5 : i32
    %dma_start3A_279 = arith.constant 0 : i32
    %dma_start3A_280 = arith.constant 0 : i32
    %dma_start3A_281 = tpu.memref_slice %arg6[%dma_start3A_278, %dma_start3A_279, %dma_start3A_280] : memref<8x64x128xf32, #tpu.memory_space<vmem>> -> memref<1x64x128xf32, #tpu.memory_space<vmem>>
    %dma_start3A_282 = tpu.memref_squeeze %dma_start3A_281 : memref<1x64x128xf32, #tpu.memory_space<vmem>> -> memref<64x128xf32, #tpu.memory_space<vmem>>
    %dma_start3A_283 = arith.constant 0 : i32
    %dma_start3A_284 = tpu.memref_slice %arg3[%dma_start3A_283, %multiple_of3A_276] : memref<64x1000000xf32, #tpu.memory_space<hbm>> -> memref<64x128xf32, #tpu.memory_space<hbm>>
    %dma_start3A_285 = arith.constant 0 : i32
    %dma_start3A_286 = arith.constant 0 : i32
    %dma_start3A_287 = tpu.memref_slice %arg6[%dma_start3A_278, %dma_start3A_285, %dma_start3A_286] : memref<8x64x128xf32, #tpu.memory_space<vmem>> -> memref<1x64x128xf32, #tpu.memory_space<vmem>>
    %dma_start3A_288 = tpu.memref_squeeze %dma_start3A_287 : memref<1x64x128xf32, #tpu.memory_space<vmem>> -> memref<64x128xf32, #tpu.memory_space<vmem>>
    %dma_start3A_289 = arith.constant 0 : i32
    %dma_start3A_290 = tpu.memref_slice %arg3[%dma_start3A_289, %multiple_of3A_276] : memref<64x1000000xf32, #tpu.memory_space<hbm>> -> memref<64x128xf32, #tpu.memory_space<hbm>>
    tpu.enqueue_dma source(%dma_start3A_290 : memref<64x128xf32, #tpu.memory_space<hbm>>) target(%dma_start3A_288 : memref<64x128xf32, #tpu.memory_space<vmem>>) target_semaphore(%arg8 : memref<!tpu.dma_semaphore, #tpu.memory_space<semaphore_mem>>)
    %eq3A_291 = arith.constant 6 : i32
    %eq3A_292 = vector.broadcast %eq3A_291 : i32 to vector<16xi32>
    %eq3A_293 = arith.cmpi eq, %iota3A, %eq3A_292 : vector<16xi32>
    %convert_element_type3A_294 = arith.extui %eq3A_293 : vector<16xi1> to vector<16xi32>
    %mul3A_295 = arith.muli %get3A_3, %convert_element_type3A_294 : vector<16xi32>
    %reduce_sum3A_296 = arith.constant true
    %reduce_sum3A_297 = vector.broadcast %reduce_sum3A_296 : i1 to vector<16xi1>
    %reduce_sum3A_298 = tpu.scan <sum>, %mul3A_295 masked %reduce_sum3A_297 : vector<16xi32>, vector<16xi1> -> vector<16xi32>
    %reduce_sum3A_299 = vector.extract %reduce_sum3A_298[15] : i32 from vector<16xi32>
    %jit3A_300 = arith.constant 128 : i32
    %div3A_301 = arith.divsi %reduce_sum3A_299, %jit3A_300 : i32
    %sign3A_302 = arith.constant 0 : i32
    %sign3A_303 = arith.cmpi sgt, %reduce_sum3A_299, %sign3A_302 : i32
    %sign3A_304 = arith.extui %sign3A_303 : i1 to i32
    %sign3A_305 = arith.constant 0 : i32
    %sign3A_306 = arith.cmpi slt, %reduce_sum3A_299, %sign3A_305 : i32
    %sign3A_307 = arith.extui %sign3A_306 : i1 to i32
    %sign3A_308 = arith.subi %sign3A_304, %sign3A_307 : i32
    %sign3A_309 = arith.constant 0 : i32
    %sign3A_310 = arith.cmpi sgt, %jit3A_300, %sign3A_309 : i32
    %sign3A_311 = arith.extui %sign3A_310 : i1 to i32
    %sign3A_312 = arith.constant 0 : i32
    %sign3A_313 = arith.cmpi slt, %jit3A_300, %sign3A_312 : i32
    %sign3A_314 = arith.extui %sign3A_313 : i1 to i32
    %sign3A_315 = arith.subi %sign3A_311, %sign3A_314 : i32
    %ne3A_316 = arith.cmpi ne, %sign3A_308, %sign3A_315 : i32
    %rem3A_317 = arith.remsi %reduce_sum3A_299, %jit3A_300 : i32
    %ne3A_318 = arith.constant 0 : i32
    %ne3A_319 = arith.cmpi ne, %rem3A_317, %ne3A_318 : i32
    %and3A_320 = arith.andi %ne3A_316, %ne3A_319 : i1
    %sub3A_321 = arith.constant 1 : i32
    %sub3A_322 = arith.subi %div3A_301, %sub3A_321 : i32
    %select_n3A_323 = arith.select %and3A_320, %sub3A_322, %div3A_301 : i32
    %mul3A_324 = arith.constant 128 : i32
    %mul3A_325 = arith.muli %select_n3A_323, %mul3A_324 : i32
    %multiple_of3A_326 = tpu.assume_multiple %mul3A_325, 128 : i32
    %sub3A_327 = arith.subi %reduce_sum3A_299, %multiple_of3A_326 : i32
    %dma_start3A_328 = arith.constant 6 : i32
    %dma_start3A_329 = arith.constant 0 : i32
    %dma_start3A_330 = arith.constant 0 : i32
    %dma_start3A_331 = tpu.memref_slice %arg6[%dma_start3A_328, %dma_start3A_329, %dma_start3A_330] : memref<8x64x128xf32, #tpu.memory_space<vmem>> -> memref<1x64x128xf32, #tpu.memory_space<vmem>>
    %dma_start3A_332 = tpu.memref_squeeze %dma_start3A_331 : memref<1x64x128xf32, #tpu.memory_space<vmem>> -> memref<64x128xf32, #tpu.memory_space<vmem>>
    %dma_start3A_333 = arith.constant 0 : i32
    %dma_start3A_334 = tpu.memref_slice %arg3[%dma_start3A_333, %multiple_of3A_326] : memref<64x1000000xf32, #tpu.memory_space<hbm>> -> memref<64x128xf32, #tpu.memory_space<hbm>>
    %dma_start3A_335 = arith.constant 0 : i32
    %dma_start3A_336 = arith.constant 0 : i32
    %dma_start3A_337 = tpu.memref_slice %arg6[%dma_start3A_328, %dma_start3A_335, %dma_start3A_336] : memref<8x64x128xf32, #tpu.memory_space<vmem>> -> memref<1x64x128xf32, #tpu.memory_space<vmem>>
    %dma_start3A_338 = tpu.memref_squeeze %dma_start3A_337 : memref<1x64x128xf32, #tpu.memory_space<vmem>> -> memref<64x128xf32, #tpu.memory_space<vmem>>
    %dma_start3A_339 = arith.constant 0 : i32
    %dma_start3A_340 = tpu.memref_slice %arg3[%dma_start3A_339, %multiple_of3A_326] : memref<64x1000000xf32, #tpu.memory_space<hbm>> -> memref<64x128xf32, #tpu.memory_space<hbm>>
    tpu.enqueue_dma source(%dma_start3A_340 : memref<64x128xf32, #tpu.memory_space<hbm>>) target(%dma_start3A_338 : memref<64x128xf32, #tpu.memory_space<vmem>>) target_semaphore(%arg8 : memref<!tpu.dma_semaphore, #tpu.memory_space<semaphore_mem>>)
    %eq3A_341 = arith.constant 7 : i32
    %eq3A_342 = vector.broadcast %eq3A_341 : i32 to vector<16xi32>
    %eq3A_343 = arith.cmpi eq, %iota3A, %eq3A_342 : vector<16xi32>
    %convert_element_type3A_344 = arith.extui %eq3A_343 : vector<16xi1> to vector<16xi32>
    %mul3A_345 = arith.muli %get3A_3, %convert_element_type3A_344 : vector<16xi32>
    %reduce_sum3A_346 = arith.constant true
    %reduce_sum3A_347 = vector.broadcast %reduce_sum3A_346 : i1 to vector<16xi1>
    %reduce_sum3A_348 = tpu.scan <sum>, %mul3A_345 masked %reduce_sum3A_347 : vector<16xi32>, vector<16xi1> -> vector<16xi32>
    %reduce_sum3A_349 = vector.extract %reduce_sum3A_348[15] : i32 from vector<16xi32>
    %jit3A_350 = arith.constant 128 : i32
    %div3A_351 = arith.divsi %reduce_sum3A_349, %jit3A_350 : i32
    %sign3A_352 = arith.constant 0 : i32
    %sign3A_353 = arith.cmpi sgt, %reduce_sum3A_349, %sign3A_352 : i32
    %sign3A_354 = arith.extui %sign3A_353 : i1 to i32
    %sign3A_355 = arith.constant 0 : i32
    %sign3A_356 = arith.cmpi slt, %reduce_sum3A_349, %sign3A_355 : i32
    %sign3A_357 = arith.extui %sign3A_356 : i1 to i32
    %sign3A_358 = arith.subi %sign3A_354, %sign3A_357 : i32
    %sign3A_359 = arith.constant 0 : i32
    %sign3A_360 = arith.cmpi sgt, %jit3A_350, %sign3A_359 : i32
    %sign3A_361 = arith.extui %sign3A_360 : i1 to i32
    %sign3A_362 = arith.constant 0 : i32
    %sign3A_363 = arith.cmpi slt, %jit3A_350, %sign3A_362 : i32
    %sign3A_364 = arith.extui %sign3A_363 : i1 to i32
    %sign3A_365 = arith.subi %sign3A_361, %sign3A_364 : i32
    %ne3A_366 = arith.cmpi ne, %sign3A_358, %sign3A_365 : i32
    %rem3A_367 = arith.remsi %reduce_sum3A_349, %jit3A_350 : i32
    %ne3A_368 = arith.constant 0 : i32
    %ne3A_369 = arith.cmpi ne, %rem3A_367, %ne3A_368 : i32
    %and3A_370 = arith.andi %ne3A_366, %ne3A_369 : i1
    %sub3A_371 = arith.constant 1 : i32
    %sub3A_372 = arith.subi %div3A_351, %sub3A_371 : i32
    %select_n3A_373 = arith.select %and3A_370, %sub3A_372, %div3A_351 : i32
    %mul3A_374 = arith.constant 128 : i32
    %mul3A_375 = arith.muli %select_n3A_373, %mul3A_374 : i32
    %multiple_of3A_376 = tpu.assume_multiple %mul3A_375, 128 : i32
    %sub3A_377 = arith.subi %reduce_sum3A_349, %multiple_of3A_376 : i32
    %dma_start3A_378 = arith.constant 7 : i32
    %dma_start3A_379 = arith.constant 0 : i32
    %dma_start3A_380 = arith.constant 0 : i32
    %dma_start3A_381 = tpu.memref_slice %arg6[%dma_start3A_378, %dma_start3A_379, %dma_start3A_380] : memref<8x64x128xf32, #tpu.memory_space<vmem>> -> memref<1x64x128xf32, #tpu.memory_space<vmem>>
    %dma_start3A_382 = tpu.memref_squeeze %dma_start3A_381 : memref<1x64x128xf32, #tpu.memory_space<vmem>> -> memref<64x128xf32, #tpu.memory_space<vmem>>
    %dma_start3A_383 = arith.constant 0 : i32
    %dma_start3A_384 = tpu.memref_slice %arg3[%dma_start3A_383, %multiple_of3A_376] : memref<64x1000000xf32, #tpu.memory_space<hbm>> -> memref<64x128xf32, #tpu.memory_space<hbm>>
    %dma_start3A_385 = arith.constant 0 : i32
    %dma_start3A_386 = arith.constant 0 : i32
    %dma_start3A_387 = tpu.memref_slice %arg6[%dma_start3A_378, %dma_start3A_385, %dma_start3A_386] : memref<8x64x128xf32, #tpu.memory_space<vmem>> -> memref<1x64x128xf32, #tpu.memory_space<vmem>>
    %dma_start3A_388 = tpu.memref_squeeze %dma_start3A_387 : memref<1x64x128xf32, #tpu.memory_space<vmem>> -> memref<64x128xf32, #tpu.memory_space<vmem>>
    %dma_start3A_389 = arith.constant 0 : i32
    %dma_start3A_390 = tpu.memref_slice %arg3[%dma_start3A_389, %multiple_of3A_376] : memref<64x1000000xf32, #tpu.memory_space<hbm>> -> memref<64x128xf32, #tpu.memory_space<hbm>>
    tpu.enqueue_dma source(%dma_start3A_390 : memref<64x128xf32, #tpu.memory_space<hbm>>) target(%dma_start3A_388 : memref<64x128xf32, #tpu.memory_space<vmem>>) target_semaphore(%arg8 : memref<!tpu.dma_semaphore, #tpu.memory_space<semaphore_mem>>)
    %dma_wait3A = arith.constant 0 : i32
    %dma_wait3A_391 = arith.constant 0 : i32
    %dma_wait3A_392 = arith.constant 0 : i32
    %dma_wait3A_393 = tpu.memref_slice %arg6[%dma_wait3A, %dma_wait3A_391, %dma_wait3A_392] : memref<8x64x128xf32, #tpu.memory_space<vmem>> -> memref<1x64x128xf32, #tpu.memory_space<vmem>>
    %dma_wait3A_394 = tpu.memref_squeeze %dma_wait3A_393 : memref<1x64x128xf32, #tpu.memory_space<vmem>> -> memref<64x128xf32, #tpu.memory_space<vmem>>
    %dma_wait3A_395 = arith.constant 0 : i32
    %dma_wait3A_396 = tpu.memref_slice %arg3[%dma_wait3A_395, %multiple_of3A] : memref<64x1000000xf32, #tpu.memory_space<hbm>> -> memref<64x128xf32, #tpu.memory_space<hbm>>
    %dma_wait3A_397 = arith.constant 0 : i32
    %dma_wait3A_398 = arith.constant 0 : i32
    %dma_wait3A_399 = tpu.memref_slice %arg6[%dma_wait3A, %dma_wait3A_397, %dma_wait3A_398] : memref<8x64x128xf32, #tpu.memory_space<vmem>> -> memref<1x64x128xf32, #tpu.memory_space<vmem>>
    %dma_wait3A_400 = tpu.memref_squeeze %dma_wait3A_399 : memref<1x64x128xf32, #tpu.memory_space<vmem>> -> memref<64x128xf32, #tpu.memory_space<vmem>>
    %dma_wait3A_401 = arith.constant 0 : i32
    %dma_wait3A_402 = tpu.memref_slice %arg3[%dma_wait3A_401, %multiple_of3A] : memref<64x1000000xf32, #tpu.memory_space<hbm>> -> memref<64x128xf32, #tpu.memory_space<hbm>>
    tpu.wait_dma2 semaphore(%arg8 : memref<!tpu.dma_semaphore, #tpu.memory_space<semaphore_mem>>) src(%dma_wait3A_402 : memref<64x128xf32, #tpu.memory_space<hbm>>) dst(%dma_wait3A_400 : memref<64x128xf32, #tpu.memory_space<vmem>>)
    %dma_wait3A_403 = arith.constant 1 : i32
    %dma_wait3A_404 = arith.constant 0 : i32
    %dma_wait3A_405 = arith.constant 0 : i32
    %dma_wait3A_406 = tpu.memref_slice %arg6[%dma_wait3A_403, %dma_wait3A_404, %dma_wait3A_405] : memref<8x64x128xf32, #tpu.memory_space<vmem>> -> memref<1x64x128xf32, #tpu.memory_space<vmem>>
    %dma_wait3A_407 = tpu.memref_squeeze %dma_wait3A_406 : memref<1x64x128xf32, #tpu.memory_space<vmem>> -> memref<64x128xf32, #tpu.memory_space<vmem>>
    %dma_wait3A_408 = arith.constant 0 : i32
    %dma_wait3A_409 = tpu.memref_slice %arg3[%dma_wait3A_408, %multiple_of3A_76] : memref<64x1000000xf32, #tpu.memory_space<hbm>> -> memref<64x128xf32, #tpu.memory_space<hbm>>
    %dma_wait3A_410 = arith.constant 0 : i32
    %dma_wait3A_411 = arith.constant 0 : i32
    %dma_wait3A_412 = tpu.memref_slice %arg6[%dma_wait3A_403, %dma_wait3A_410, %dma_wait3A_411] : memref<8x64x128xf32, #tpu.memory_space<vmem>> -> memref<1x64x128xf32, #tpu.memory_space<vmem>>
    %dma_wait3A_413 = tpu.memref_squeeze %dma_wait3A_412 : memref<1x64x128xf32, #tpu.memory_space<vmem>> -> memref<64x128xf32, #tpu.memory_space<vmem>>
    %dma_wait3A_414 = arith.constant 0 : i32
    %dma_wait3A_415 = tpu.memref_slice %arg3[%dma_wait3A_414, %multiple_of3A_76] : memref<64x1000000xf32, #tpu.memory_space<hbm>> -> memref<64x128xf32, #tpu.memory_space<hbm>>
    tpu.wait_dma2 semaphore(%arg8 : memref<!tpu.dma_semaphore, #tpu.memory_space<semaphore_mem>>) src(%dma_wait3A_415 : memref<64x128xf32, #tpu.memory_space<hbm>>) dst(%dma_wait3A_413 : memref<64x128xf32, #tpu.memory_space<vmem>>)
    %dma_wait3A_416 = arith.constant 2 : i32
    %dma_wait3A_417 = arith.constant 0 : i32
    %dma_wait3A_418 = arith.constant 0 : i32
    %dma_wait3A_419 = tpu.memref_slice %arg6[%dma_wait3A_416, %dma_wait3A_417, %dma_wait3A_418] : memref<8x64x128xf32, #tpu.memory_space<vmem>> -> memref<1x64x128xf32, #tpu.memory_space<vmem>>
    %dma_wait3A_420 = tpu.memref_squeeze %dma_wait3A_419 : memref<1x64x128xf32, #tpu.memory_space<vmem>> -> memref<64x128xf32, #tpu.memory_space<vmem>>
    %dma_wait3A_421 = arith.constant 0 : i32
    %dma_wait3A_422 = tpu.memref_slice %arg3[%dma_wait3A_421, %multiple_of3A_126] : memref<64x1000000xf32, #tpu.memory_space<hbm>> -> memref<64x128xf32, #tpu.memory_space<hbm>>
    %dma_wait3A_423 = arith.constant 0 : i32
    %dma_wait3A_424 = arith.constant 0 : i32
    %dma_wait3A_425 = tpu.memref_slice %arg6[%dma_wait3A_416, %dma_wait3A_423, %dma_wait3A_424] : memref<8x64x128xf32, #tpu.memory_space<vmem>> -> memref<1x64x128xf32, #tpu.memory_space<vmem>>
    %dma_wait3A_426 = tpu.memref_squeeze %dma_wait3A_425 : memref<1x64x128xf32, #tpu.memory_space<vmem>> -> memref<64x128xf32, #tpu.memory_space<vmem>>
    %dma_wait3A_427 = arith.constant 0 : i32
    %dma_wait3A_428 = tpu.memref_slice %arg3[%dma_wait3A_427, %multiple_of3A_126] : memref<64x1000000xf32, #tpu.memory_space<hbm>> -> memref<64x128xf32, #tpu.memory_space<hbm>>
    tpu.wait_dma2 semaphore(%arg8 : memref<!tpu.dma_semaphore, #tpu.memory_space<semaphore_mem>>) src(%dma_wait3A_428 : memref<64x128xf32, #tpu.memory_space<hbm>>) dst(%dma_wait3A_426 : memref<64x128xf32, #tpu.memory_space<vmem>>)
    %dma_wait3A_429 = arith.constant 3 : i32
    %dma_wait3A_430 = arith.constant 0 : i32
    %dma_wait3A_431 = arith.constant 0 : i32
    %dma_wait3A_432 = tpu.memref_slice %arg6[%dma_wait3A_429, %dma_wait3A_430, %dma_wait3A_431] : memref<8x64x128xf32, #tpu.memory_space<vmem>> -> memref<1x64x128xf32, #tpu.memory_space<vmem>>
    %dma_wait3A_433 = tpu.memref_squeeze %dma_wait3A_432 : memref<1x64x128xf32, #tpu.memory_space<vmem>> -> memref<64x128xf32, #tpu.memory_space<vmem>>
    %dma_wait3A_434 = arith.constant 0 : i32
    %dma_wait3A_435 = tpu.memref_slice %arg3[%dma_wait3A_434, %multiple_of3A_176] : memref<64x1000000xf32, #tpu.memory_space<hbm>> -> memref<64x128xf32, #tpu.memory_space<hbm>>
    %dma_wait3A_436 = arith.constant 0 : i32
    %dma_wait3A_437 = arith.constant 0 : i32
    %dma_wait3A_438 = tpu.memref_slice %arg6[%dma_wait3A_429, %dma_wait3A_436, %dma_wait3A_437] : memref<8x64x128xf32, #tpu.memory_space<vmem>> -> memref<1x64x128xf32, #tpu.memory_space<vmem>>
    %dma_wait3A_439 = tpu.memref_squeeze %dma_wait3A_438 : memref<1x64x128xf32, #tpu.memory_space<vmem>> -> memref<64x128xf32, #tpu.memory_space<vmem>>
    %dma_wait3A_440 = arith.constant 0 : i32
    %dma_wait3A_441 = tpu.memref_slice %arg3[%dma_wait3A_440, %multiple_of3A_176] : memref<64x1000000xf32, #tpu.memory_space<hbm>> -> memref<64x128xf32, #tpu.memory_space<hbm>>
    tpu.wait_dma2 semaphore(%arg8 : memref<!tpu.dma_semaphore, #tpu.memory_space<semaphore_mem>>) src(%dma_wait3A_441 : memref<64x128xf32, #tpu.memory_space<hbm>>) dst(%dma_wait3A_439 : memref<64x128xf32, #tpu.memory_space<vmem>>)
    %dma_wait3A_442 = arith.constant 4 : i32
    %dma_wait3A_443 = arith.constant 0 : i32
    %dma_wait3A_444 = arith.constant 0 : i32
    %dma_wait3A_445 = tpu.memref_slice %arg6[%dma_wait3A_442, %dma_wait3A_443, %dma_wait3A_444] : memref<8x64x128xf32, #tpu.memory_space<vmem>> -> memref<1x64x128xf32, #tpu.memory_space<vmem>>
    %dma_wait3A_446 = tpu.memref_squeeze %dma_wait3A_445 : memref<1x64x128xf32, #tpu.memory_space<vmem>> -> memref<64x128xf32, #tpu.memory_space<vmem>>
    %dma_wait3A_447 = arith.constant 0 : i32
    %dma_wait3A_448 = tpu.memref_slice %arg3[%dma_wait3A_447, %multiple_of3A_226] : memref<64x1000000xf32, #tpu.memory_space<hbm>> -> memref<64x128xf32, #tpu.memory_space<hbm>>
    %dma_wait3A_449 = arith.constant 0 : i32
    %dma_wait3A_450 = arith.constant 0 : i32
    %dma_wait3A_451 = tpu.memref_slice %arg6[%dma_wait3A_442, %dma_wait3A_449, %dma_wait3A_450] : memref<8x64x128xf32, #tpu.memory_space<vmem>> -> memref<1x64x128xf32, #tpu.memory_space<vmem>>
    %dma_wait3A_452 = tpu.memref_squeeze %dma_wait3A_451 : memref<1x64x128xf32, #tpu.memory_space<vmem>> -> memref<64x128xf32, #tpu.memory_space<vmem>>
    %dma_wait3A_453 = arith.constant 0 : i32
    %dma_wait3A_454 = tpu.memref_slice %arg3[%dma_wait3A_453, %multiple_of3A_226] : memref<64x1000000xf32, #tpu.memory_space<hbm>> -> memref<64x128xf32, #tpu.memory_space<hbm>>
    tpu.wait_dma2 semaphore(%arg8 : memref<!tpu.dma_semaphore, #tpu.memory_space<semaphore_mem>>) src(%dma_wait3A_454 : memref<64x128xf32, #tpu.memory_space<hbm>>) dst(%dma_wait3A_452 : memref<64x128xf32, #tpu.memory_space<vmem>>)
    %dma_wait3A_455 = arith.constant 5 : i32
    %dma_wait3A_456 = arith.constant 0 : i32
    %dma_wait3A_457 = arith.constant 0 : i32
    %dma_wait3A_458 = tpu.memref_slice %arg6[%dma_wait3A_455, %dma_wait3A_456, %dma_wait3A_457] : memref<8x64x128xf32, #tpu.memory_space<vmem>> -> memref<1x64x128xf32, #tpu.memory_space<vmem>>
    %dma_wait3A_459 = tpu.memref_squeeze %dma_wait3A_458 : memref<1x64x128xf32, #tpu.memory_space<vmem>> -> memref<64x128xf32, #tpu.memory_space<vmem>>
    %dma_wait3A_460 = arith.constant 0 : i32
    %dma_wait3A_461 = tpu.memref_slice %arg3[%dma_wait3A_460, %multiple_of3A_276] : memref<64x1000000xf32, #tpu.memory_space<hbm>> -> memref<64x128xf32, #tpu.memory_space<hbm>>
    %dma_wait3A_462 = arith.constant 0 : i32
    %dma_wait3A_463 = arith.constant 0 : i32
    %dma_wait3A_464 = tpu.memref_slice %arg6[%dma_wait3A_455, %dma_wait3A_462, %dma_wait3A_463] : memref<8x64x128xf32, #tpu.memory_space<vmem>> -> memref<1x64x128xf32, #tpu.memory_space<vmem>>
    %dma_wait3A_465 = tpu.memref_squeeze %dma_wait3A_464 : memref<1x64x128xf32, #tpu.memory_space<vmem>> -> memref<64x128xf32, #tpu.memory_space<vmem>>
    %dma_wait3A_466 = arith.constant 0 : i32
    %dma_wait3A_467 = tpu.memref_slice %arg3[%dma_wait3A_466, %multiple_of3A_276] : memref<64x1000000xf32, #tpu.memory_space<hbm>> -> memref<64x128xf32, #tpu.memory_space<hbm>>
    tpu.wait_dma2 semaphore(%arg8 : memref<!tpu.dma_semaphore, #tpu.memory_space<semaphore_mem>>) src(%dma_wait3A_467 : memref<64x128xf32, #tpu.memory_space<hbm>>) dst(%dma_wait3A_465 : memref<64x128xf32, #tpu.memory_space<vmem>>)
    %dma_wait3A_468 = arith.constant 6 : i32
    %dma_wait3A_469 = arith.constant 0 : i32
    %dma_wait3A_470 = arith.constant 0 : i32
    %dma_wait3A_471 = tpu.memref_slice %arg6[%dma_wait3A_468, %dma_wait3A_469, %dma_wait3A_470] : memref<8x64x128xf32, #tpu.memory_space<vmem>> -> memref<1x64x128xf32, #tpu.memory_space<vmem>>
    %dma_wait3A_472 = tpu.memref_squeeze %dma_wait3A_471 : memref<1x64x128xf32, #tpu.memory_space<vmem>> -> memref<64x128xf32, #tpu.memory_space<vmem>>
    %dma_wait3A_473 = arith.constant 0 : i32
    %dma_wait3A_474 = tpu.memref_slice %arg3[%dma_wait3A_473, %multiple_of3A_326] : memref<64x1000000xf32, #tpu.memory_space<hbm>> -> memref<64x128xf32, #tpu.memory_space<hbm>>
    %dma_wait3A_475 = arith.constant 0 : i32
    %dma_wait3A_476 = arith.constant 0 : i32
    %dma_wait3A_477 = tpu.memref_slice %arg6[%dma_wait3A_468, %dma_wait3A_475, %dma_wait3A_476] : memref<8x64x128xf32, #tpu.memory_space<vmem>> -> memref<1x64x128xf32, #tpu.memory_space<vmem>>
    %dma_wait3A_478 = tpu.memref_squeeze %dma_wait3A_477 : memref<1x64x128xf32, #tpu.memory_space<vmem>> -> memref<64x128xf32, #tpu.memory_space<vmem>>
    %dma_wait3A_479 = arith.constant 0 : i32
    %dma_wait3A_480 = tpu.memref_slice %arg3[%dma_wait3A_479, %multiple_of3A_326] : memref<64x1000000xf32, #tpu.memory_space<hbm>> -> memref<64x128xf32, #tpu.memory_space<hbm>>
    tpu.wait_dma2 semaphore(%arg8 : memref<!tpu.dma_semaphore, #tpu.memory_space<semaphore_mem>>) src(%dma_wait3A_480 : memref<64x128xf32, #tpu.memory_space<hbm>>) dst(%dma_wait3A_478 : memref<64x128xf32, #tpu.memory_space<vmem>>)
    %dma_wait3A_481 = arith.constant 7 : i32
    %dma_wait3A_482 = arith.constant 0 : i32
    %dma_wait3A_483 = arith.constant 0 : i32
    %dma_wait3A_484 = tpu.memref_slice %arg6[%dma_wait3A_481, %dma_wait3A_482, %dma_wait3A_483] : memref<8x64x128xf32, #tpu.memory_space<vmem>> -> memref<1x64x128xf32, #tpu.memory_space<vmem>>
    %dma_wait3A_485 = tpu.memref_squeeze %dma_wait3A_484 : memref<1x64x128xf32, #tpu.memory_space<vmem>> -> memref<64x128xf32, #tpu.memory_space<vmem>>
    %dma_wait3A_486 = arith.constant 0 : i32
    %dma_wait3A_487 = tpu.memref_slice %arg3[%dma_wait3A_486, %multiple_of3A_376] : memref<64x1000000xf32, #tpu.memory_space<hbm>> -> memref<64x128xf32, #tpu.memory_space<hbm>>
    %dma_wait3A_488 = arith.constant 0 : i32
    %dma_wait3A_489 = arith.constant 0 : i32
    %dma_wait3A_490 = tpu.memref_slice %arg6[%dma_wait3A_481, %dma_wait3A_488, %dma_wait3A_489] : memref<8x64x128xf32, #tpu.memory_space<vmem>> -> memref<1x64x128xf32, #tpu.memory_space<vmem>>
    %dma_wait3A_491 = tpu.memref_squeeze %dma_wait3A_490 : memref<1x64x128xf32, #tpu.memory_space<vmem>> -> memref<64x128xf32, #tpu.memory_space<vmem>>
    %dma_wait3A_492 = arith.constant 0 : i32
    %dma_wait3A_493 = tpu.memref_slice %arg3[%dma_wait3A_492, %multiple_of3A_376] : memref<64x1000000xf32, #tpu.memory_space<hbm>> -> memref<64x128xf32, #tpu.memory_space<hbm>>
    tpu.wait_dma2 semaphore(%arg8 : memref<!tpu.dma_semaphore, #tpu.memory_space<semaphore_mem>>) src(%dma_wait3A_493 : memref<64x128xf32, #tpu.memory_space<hbm>>) dst(%dma_wait3A_491 : memref<64x128xf32, #tpu.memory_space<vmem>>)
    %lt3A = arith.constant 25 : i32
    %lt3A_494 = arith.cmpi slt, %add3A, %lt3A : i32
    %jit3A_495 = arith.constant 5.000000e-03 : f32
    %jit3A_496 = arith.constant 0.000000e+00 : f32
    %select_n3A_497 = arith.select %lt3A_494, %jit3A_495, %jit3A_496 : f32
    %iota3A_498 = tpu.iota {dimensions = array<i32: 0>} : vector<16xi32>
    %add3A_499 = arith.constant 0 : i32
    %add3A_500 = vector.broadcast %add3A_499 : i32 to vector<16xi32>
    %add3A_501 = arith.addi %iota3A_498, %add3A_500 : vector<16xi32>
    %broadcast_in_dim3A = vector.broadcast %sub3A_28 : i32 to vector<16xi32>
    %gather3A = arith.constant 0 : i32
    %gather3A_502 = arith.constant 0 : i32
    %gather3A_503 = arith.constant 0 : i32
    %gather3A_504 = tpu.memref_slice %arg6[%gather3A, %gather3A_502, %gather3A_503] : memref<8x64x128xf32, #tpu.memory_space<vmem>> -> memref<1x64x128xf32, #tpu.memory_space<vmem>>
    %gather3A_505 = tpu.memref_squeeze %gather3A_504 : memref<1x64x128xf32, #tpu.memory_space<vmem>> -> memref<64x128xf32, #tpu.memory_space<vmem>>
    %gather3A_506 = tpu.vector_load_idx %gather3A_505[%add3A_501, %broadcast_in_dim3A] : memref<64x128xf32, #tpu.memory_space<vmem>>[vector<16xi32>, vector<16xi32>], vector<16xf32>,
    %broadcast_in_dim3A_507 = vector.broadcast %sub3A_77 : i32 to vector<16xi32>
    %gather3A_508 = arith.constant 1 : i32
    %gather3A_509 = arith.constant 0 : i32
    %gather3A_510 = arith.constant 0 : i32
    %gather3A_511 = tpu.memref_slice %arg6[%gather3A_508, %gather3A_509, %gather3A_510] : memref<8x64x128xf32, #tpu.memory_space<vmem>> -> memref<1x64x128xf32, #tpu.memory_space<vmem>>
    %gather3A_512 = tpu.memref_squeeze %gather3A_511 : memref<1x64x128xf32, #tpu.memory_space<vmem>> -> memref<64x128xf32, #tpu.memory_space<vmem>>
    %gather3A_513 = tpu.vector_load_idx %gather3A_512[%add3A_501, %broadcast_in_dim3A_507] : memref<64x128xf32, #tpu.memory_space<vmem>>[vector<16xi32>, vector<16xi32>], vector<16xf32>,
    %add3A_514 = arith.addf %gather3A_506, %gather3A_513 : vector<16xf32>
    %broadcast_in_dim3A_515 = vector.broadcast %sub3A_127 : i32 to vector<16xi32>
    %gather3A_516 = arith.constant 2 : i32
    %gather3A_517 = arith.constant 0 : i32
    %gather3A_518 = arith.constant 0 : i32
    %gather3A_519 = tpu.memref_slice %arg6[%gather3A_516, %gather3A_517, %gather3A_518] : memref<8x64x128xf32, #tpu.memory_space<vmem>> -> memref<1x64x128xf32, #tpu.memory_space<vmem>>
    %gather3A_520 = tpu.memref_squeeze %gather3A_519 : memref<1x64x128xf32, #tpu.memory_space<vmem>> -> memref<64x128xf32, #tpu.memory_space<vmem>>
    %gather3A_521 = tpu.vector_load_idx %gather3A_520[%add3A_501, %broadcast_in_dim3A_515] : memref<64x128xf32, #tpu.memory_space<vmem>>[vector<16xi32>, vector<16xi32>], vector<16xf32>,
    %add3A_522 = arith.addf %add3A_514, %gather3A_521 : vector<16xf32>
    %broadcast_in_dim3A_523 = vector.broadcast %sub3A_177 : i32 to vector<16xi32>
    %gather3A_524 = arith.constant 3 : i32
    %gather3A_525 = arith.constant 0 : i32
    %gather3A_526 = arith.constant 0 : i32
    %gather3A_527 = tpu.memref_slice %arg6[%gather3A_524, %gather3A_525, %gather3A_526] : memref<8x64x128xf32, #tpu.memory_space<vmem>> -> memref<1x64x128xf32, #tpu.memory_space<vmem>>
    %gather3A_528 = tpu.memref_squeeze %gather3A_527 : memref<1x64x128xf32, #tpu.memory_space<vmem>> -> memref<64x128xf32, #tpu.memory_space<vmem>>
    %gather3A_529 = tpu.vector_load_idx %gather3A_528[%add3A_501, %broadcast_in_dim3A_523] : memref<64x128xf32, #tpu.memory_space<vmem>>[vector<16xi32>, vector<16xi32>], vector<16xf32>,
    %add3A_530 = arith.addf %add3A_522, %gather3A_529 : vector<16xf32>
    %broadcast_in_dim3A_531 = vector.broadcast %sub3A_227 : i32 to vector<16xi32>
    %gather3A_532 = arith.constant 4 : i32
    %gather3A_533 = arith.constant 0 : i32
    %gather3A_534 = arith.constant 0 : i32
    %gather3A_535 = tpu.memref_slice %arg6[%gather3A_532, %gather3A_533, %gather3A_534] : memref<8x64x128xf32, #tpu.memory_space<vmem>> -> memref<1x64x128xf32, #tpu.memory_space<vmem>>
    %gather3A_536 = tpu.memref_squeeze %gather3A_535 : memref<1x64x128xf32, #tpu.memory_space<vmem>> -> memref<64x128xf32, #tpu.memory_space<vmem>>
    %gather3A_537 = tpu.vector_load_idx %gather3A_536[%add3A_501, %broadcast_in_dim3A_531] : memref<64x128xf32, #tpu.memory_space<vmem>>[vector<16xi32>, vector<16xi32>], vector<16xf32>,
    %add3A_538 = arith.addf %add3A_530, %gather3A_537 : vector<16xf32>
    %broadcast_in_dim3A_539 = vector.broadcast %sub3A_277 : i32 to vector<16xi32>
    %gather3A_540 = arith.constant 5 : i32
    %gather3A_541 = arith.constant 0 : i32
    %gather3A_542 = arith.constant 0 : i32
    %gather3A_543 = tpu.memref_slice %arg6[%gather3A_540, %gather3A_541, %gather3A_542] : memref<8x64x128xf32, #tpu.memory_space<vmem>> -> memref<1x64x128xf32, #tpu.memory_space<vmem>>
    %gather3A_544 = tpu.memref_squeeze %gather3A_543 : memref<1x64x128xf32, #tpu.memory_space<vmem>> -> memref<64x128xf32, #tpu.memory_space<vmem>>
    %gather3A_545 = tpu.vector_load_idx %gather3A_544[%add3A_501, %broadcast_in_dim3A_539] : memref<64x128xf32, #tpu.memory_space<vmem>>[vector<16xi32>, vector<16xi32>], vector<16xf32>,
    %add3A_546 = arith.addf %add3A_538, %gather3A_545 : vector<16xf32>
    %broadcast_in_dim3A_547 = vector.broadcast %sub3A_327 : i32 to vector<16xi32>
    %gather3A_548 = arith.constant 6 : i32
    %gather3A_549 = arith.constant 0 : i32
    %gather3A_550 = arith.constant 0 : i32
    %gather3A_551 = tpu.memref_slice %arg6[%gather3A_548, %gather3A_549, %gather3A_550] : memref<8x64x128xf32, #tpu.memory_space<vmem>> -> memref<1x64x128xf32, #tpu.memory_space<vmem>>
    %gather3A_552 = tpu.memref_squeeze %gather3A_551 : memref<1x64x128xf32, #tpu.memory_space<vmem>> -> memref<64x128xf32, #tpu.memory_space<vmem>>
    %gather3A_553 = tpu.vector_load_idx %gather3A_552[%add3A_501, %broadcast_in_dim3A_547] : memref<64x128xf32, #tpu.memory_space<vmem>>[vector<16xi32>, vector<16xi32>], vector<16xf32>,
    %add3A_554 = arith.addf %add3A_546, %gather3A_553 : vector<16xf32>
    %broadcast_in_dim3A_555 = vector.broadcast %sub3A_377 : i32 to vector<16xi32>
    %gather3A_556 = arith.constant 7 : i32
    %gather3A_557 = arith.constant 0 : i32
    %gather3A_558 = arith.constant 0 : i32
    %gather3A_559 = tpu.memref_slice %arg6[%gather3A_556, %gather3A_557, %gather3A_558] : memref<8x64x128xf32, #tpu.memory_space<vmem>> -> memref<1x64x128xf32, #tpu.memory_space<vmem>>
    %gather3A_560 = tpu.memref_squeeze %gather3A_559 : memref<1x64x128xf32, #tpu.memory_space<vmem>> -> memref<64x128xf32, #tpu.memory_space<vmem>>
    %gather3A_561 = tpu.vector_load_idx %gather3A_560[%add3A_501, %broadcast_in_dim3A_555] : memref<64x128xf32, #tpu.memory_space<vmem>>[vector<16xi32>, vector<16xi32>], vector<16xf32>,
    %add3A_562 = arith.addf %add3A_554, %gather3A_561 : vector<16xf32>
    %mul3A_563 = vector.broadcast %select_n3A_497 : f32 to vector<16xf32>
    %mul3A_564 = arith.mulf %add3A_562, %mul3A_563 : vector<16xf32>
    %swap3A = arith.constant 0 : index
    %swap3A_565 = tpu.vector_load %arg7[%swap3A] {strides = array<i32>} : memref<64xf32, #tpu.memory_space<vmem>>, vector<16xf32>,
    tpu.vector_store %arg7[%swap3A], %mul3A_564 {strides = array<i32>} : memref<64xf32, #tpu.memory_space<vmem>>, vector<16xf32>,
    %iota3A_566 = tpu.iota {dimensions = array<i32: 0>} : vector<16xi32>
    %add3A_567 = arith.constant 16 : i32
    %add3A_568 = vector.broadcast %add3A_567 : i32 to vector<16xi32>
    %add3A_569 = arith.addi %iota3A_566, %add3A_568 : vector<16xi32>
    %broadcast_in_dim3A_570 = vector.broadcast %sub3A_28 : i32 to vector<16xi32>
    %gather3A_571 = arith.constant 0 : i32
    %gather3A_572 = arith.constant 0 : i32
    %gather3A_573 = arith.constant 0 : i32
    %gather3A_574 = tpu.memref_slice %arg6[%gather3A_571, %gather3A_572, %gather3A_573] : memref<8x64x128xf32, #tpu.memory_space<vmem>> -> memref<1x64x128xf32, #tpu.memory_space<vmem>>
    %gather3A_575 = tpu.memref_squeeze %gather3A_574 : memref<1x64x128xf32, #tpu.memory_space<vmem>> -> memref<64x128xf32, #tpu.memory_space<vmem>>
    %gather3A_576 = tpu.vector_load_idx %gather3A_575[%add3A_569, %broadcast_in_dim3A_570] : memref<64x128xf32, #tpu.memory_space<vmem>>[vector<16xi32>, vector<16xi32>], vector<16xf32>,
    %broadcast_in_dim3A_577 = vector.broadcast %sub3A_77 : i32 to vector<16xi32>
    %gather3A_578 = arith.constant 1 : i32
    %gather3A_579 = arith.constant 0 : i32
    %gather3A_580 = arith.constant 0 : i32
    %gather3A_581 = tpu.memref_slice %arg6[%gather3A_578, %gather3A_579, %gather3A_580] : memref<8x64x128xf32, #tpu.memory_space<vmem>> -> memref<1x64x128xf32, #tpu.memory_space<vmem>>
    %gather3A_582 = tpu.memref_squeeze %gather3A_581 : memref<1x64x128xf32, #tpu.memory_space<vmem>> -> memref<64x128xf32, #tpu.memory_space<vmem>>
    %gather3A_583 = tpu.vector_load_idx %gather3A_582[%add3A_569, %broadcast_in_dim3A_577] : memref<64x128xf32, #tpu.memory_space<vmem>>[vector<16xi32>, vector<16xi32>], vector<16xf32>,
    %add3A_584 = arith.addf %gather3A_576, %gather3A_583 : vector<16xf32>
    %broadcast_in_dim3A_585 = vector.broadcast %sub3A_127 : i32 to vector<16xi32>
    %gather3A_586 = arith.constant 2 : i32
    %gather3A_587 = arith.constant 0 : i32
    %gather3A_588 = arith.constant 0 : i32
    %gather3A_589 = tpu.memref_slice %arg6[%gather3A_586, %gather3A_587, %gather3A_588] : memref<8x64x128xf32, #tpu.memory_space<vmem>> -> memref<1x64x128xf32, #tpu.memory_space<vmem>>
    %gather3A_590 = tpu.memref_squeeze %gather3A_589 : memref<1x64x128xf32, #tpu.memory_space<vmem>> -> memref<64x128xf32, #tpu.memory_space<vmem>>
    %gather3A_591 = tpu.vector_load_idx %gather3A_590[%add3A_569, %broadcast_in_dim3A_585] : memref<64x128xf32, #tpu.memory_space<vmem>>[vector<16xi32>, vector<16xi32>], vector<16xf32>,
    %add3A_592 = arith.addf %add3A_584, %gather3A_591 : vector<16xf32>
    %broadcast_in_dim3A_593 = vector.broadcast %sub3A_177 : i32 to vector<16xi32>
    %gather3A_594 = arith.constant 3 : i32
    %gather3A_595 = arith.constant 0 : i32
    %gather3A_596 = arith.constant 0 : i32
    %gather3A_597 = tpu.memref_slice %arg6[%gather3A_594, %gather3A_595, %gather3A_596] : memref<8x64x128xf32, #tpu.memory_space<vmem>> -> memref<1x64x128xf32, #tpu.memory_space<vmem>>
    %gather3A_598 = tpu.memref_squeeze %gather3A_597 : memref<1x64x128xf32, #tpu.memory_space<vmem>> -> memref<64x128xf32, #tpu.memory_space<vmem>>
    %gather3A_599 = tpu.vector_load_idx %gather3A_598[%add3A_569, %broadcast_in_dim3A_593] : memref<64x128xf32, #tpu.memory_space<vmem>>[vector<16xi32>, vector<16xi32>], vector<16xf32>,
    %add3A_600 = arith.addf %add3A_592, %gather3A_599 : vector<16xf32>
    %broadcast_in_dim3A_601 = vector.broadcast %sub3A_227 : i32 to vector<16xi32>
    %gather3A_602 = arith.constant 4 : i32
    %gather3A_603 = arith.constant 0 : i32
    %gather3A_604 = arith.constant 0 : i32
    %gather3A_605 = tpu.memref_slice %arg6[%gather3A_602, %gather3A_603, %gather3A_604] : memref<8x64x128xf32, #tpu.memory_space<vmem>> -> memref<1x64x128xf32, #tpu.memory_space<vmem>>
    %gather3A_606 = tpu.memref_squeeze %gather3A_605 : memref<1x64x128xf32, #tpu.memory_space<vmem>> -> memref<64x128xf32, #tpu.memory_space<vmem>>
    %gather3A_607 = tpu.vector_load_idx %gather3A_606[%add3A_569, %broadcast_in_dim3A_601] : memref<64x128xf32, #tpu.memory_space<vmem>>[vector<16xi32>, vector<16xi32>], vector<16xf32>,
    %add3A_608 = arith.addf %add3A_600, %gather3A_607 : vector<16xf32>
    %broadcast_in_dim3A_609 = vector.broadcast %sub3A_277 : i32 to vector<16xi32>
    %gather3A_610 = arith.constant 5 : i32
    %gather3A_611 = arith.constant 0 : i32
    %gather3A_612 = arith.constant 0 : i32
    %gather3A_613 = tpu.memref_slice %arg6[%gather3A_610, %gather3A_611, %gather3A_612] : memref<8x64x128xf32, #tpu.memory_space<vmem>> -> memref<1x64x128xf32, #tpu.memory_space<vmem>>
    %gather3A_614 = tpu.memref_squeeze %gather3A_613 : memref<1x64x128xf32, #tpu.memory_space<vmem>> -> memref<64x128xf32, #tpu.memory_space<vmem>>
    %gather3A_615 = tpu.vector_load_idx %gather3A_614[%add3A_569, %broadcast_in_dim3A_609] : memref<64x128xf32, #tpu.memory_space<vmem>>[vector<16xi32>, vector<16xi32>], vector<16xf32>,
    %add3A_616 = arith.addf %add3A_608, %gather3A_615 : vector<16xf32>
    %broadcast_in_dim3A_617 = vector.broadcast %sub3A_327 : i32 to vector<16xi32>
    %gather3A_618 = arith.constant 6 : i32
    %gather3A_619 = arith.constant 0 : i32
    %gather3A_620 = arith.constant 0 : i32
    %gather3A_621 = tpu.memref_slice %arg6[%gather3A_618, %gather3A_619, %gather3A_620] : memref<8x64x128xf32, #tpu.memory_space<vmem>> -> memref<1x64x128xf32, #tpu.memory_space<vmem>>
    %gather3A_622 = tpu.memref_squeeze %gather3A_621 : memref<1x64x128xf32, #tpu.memory_space<vmem>> -> memref<64x128xf32, #tpu.memory_space<vmem>>
    %gather3A_623 = tpu.vector_load_idx %gather3A_622[%add3A_569, %broadcast_in_dim3A_617] : memref<64x128xf32, #tpu.memory_space<vmem>>[vector<16xi32>, vector<16xi32>], vector<16xf32>,
    %add3A_624 = arith.addf %add3A_616, %gather3A_623 : vector<16xf32>
    %broadcast_in_dim3A_625 = vector.broadcast %sub3A_377 : i32 to vector<16xi32>
    %gather3A_626 = arith.constant 7 : i32
    %gather3A_627 = arith.constant 0 : i32
    %gather3A_628 = arith.constant 0 : i32
    %gather3A_629 = tpu.memref_slice %arg6[%gather3A_626, %gather3A_627, %gather3A_628] : memref<8x64x128xf32, #tpu.memory_space<vmem>> -> memref<1x64x128xf32, #tpu.memory_space<vmem>>
    %gather3A_630 = tpu.memref_squeeze %gather3A_629 : memref<1x64x128xf32, #tpu.memory_space<vmem>> -> memref<64x128xf32, #tpu.memory_space<vmem>>
    %gather3A_631 = tpu.vector_load_idx %gather3A_630[%add3A_569, %broadcast_in_dim3A_625] : memref<64x128xf32, #tpu.memory_space<vmem>>[vector<16xi32>, vector<16xi32>], vector<16xf32>,
    %add3A_632 = arith.addf %add3A_624, %gather3A_631 : vector<16xf32>
    %mul3A_633 = vector.broadcast %select_n3A_497 : f32 to vector<16xf32>
    %mul3A_634 = arith.mulf %add3A_632, %mul3A_633 : vector<16xf32>
    %swap3A_635 = arith.constant 16 : index
    %swap3A_636 = tpu.vector_load %arg7[%swap3A_635] {strides = array<i32>} : memref<64xf32, #tpu.memory_space<vmem>>, vector<16xf32>,
    tpu.vector_store %arg7[%swap3A_635], %mul3A_634 {strides = array<i32>} : memref<64xf32, #tpu.memory_space<vmem>>, vector<16xf32>,
    %iota3A_637 = tpu.iota {dimensions = array<i32: 0>} : vector<16xi32>
    %add3A_638 = arith.constant 32 : i32
    %add3A_639 = vector.broadcast %add3A_638 : i32 to vector<16xi32>
    %add3A_640 = arith.addi %iota3A_637, %add3A_639 : vector<16xi32>
    %broadcast_in_dim3A_641 = vector.broadcast %sub3A_28 : i32 to vector<16xi32>
    %gather3A_642 = arith.constant 0 : i32
    %gather3A_643 = arith.constant 0 : i32
    %gather3A_644 = arith.constant 0 : i32
    %gather3A_645 = tpu.memref_slice %arg6[%gather3A_642, %gather3A_643, %gather3A_644] : memref<8x64x128xf32, #tpu.memory_space<vmem>> -> memref<1x64x128xf32, #tpu.memory_space<vmem>>
    %gather3A_646 = tpu.memref_squeeze %gather3A_645 : memref<1x64x128xf32, #tpu.memory_space<vmem>> -> memref<64x128xf32, #tpu.memory_space<vmem>>
    %gather3A_647 = tpu.vector_load_idx %gather3A_646[%add3A_640, %broadcast_in_dim3A_641] : memref<64x128xf32, #tpu.memory_space<vmem>>[vector<16xi32>, vector<16xi32>], vector<16xf32>,
    %broadcast_in_dim3A_648 = vector.broadcast %sub3A_77 : i32 to vector<16xi32>
    %gather3A_649 = arith.constant 1 : i32
    %gather3A_650 = arith.constant 0 : i32
    %gather3A_651 = arith.constant 0 : i32
    %gather3A_652 = tpu.memref_slice %arg6[%gather3A_649, %gather3A_650, %gather3A_651] : memref<8x64x128xf32, #tpu.memory_space<vmem>> -> memref<1x64x128xf32, #tpu.memory_space<vmem>>
    %gather3A_653 = tpu.memref_squeeze %gather3A_652 : memref<1x64x128xf32, #tpu.memory_space<vmem>> -> memref<64x128xf32, #tpu.memory_space<vmem>>
    %gather3A_654 = tpu.vector_load_idx %gather3A_653[%add3A_640, %broadcast_in_dim3A_648] : memref<64x128xf32, #tpu.memory_space<vmem>>[vector<16xi32>, vector<16xi32>], vector<16xf32>,
    %add3A_655 = arith.addf %gather3A_647, %gather3A_654 : vector<16xf32>
    %broadcast_in_dim3A_656 = vector.broadcast %sub3A_127 : i32 to vector<16xi32>
    %gather3A_657 = arith.constant 2 : i32
    %gather3A_658 = arith.constant 0 : i32
    %gather3A_659 = arith.constant 0 : i32
    %gather3A_660 = tpu.memref_slice %arg6[%gather3A_657, %gather3A_658, %gather3A_659] : memref<8x64x128xf32, #tpu.memory_space<vmem>> -> memref<1x64x128xf32, #tpu.memory_space<vmem>>
    %gather3A_661 = tpu.memref_squeeze %gather3A_660 : memref<1x64x128xf32, #tpu.memory_space<vmem>> -> memref<64x128xf32, #tpu.memory_space<vmem>>
    %gather3A_662 = tpu.vector_load_idx %gather3A_661[%add3A_640, %broadcast_in_dim3A_656] : memref<64x128xf32, #tpu.memory_space<vmem>>[vector<16xi32>, vector<16xi32>], vector<16xf32>,
    %add3A_663 = arith.addf %add3A_655, %gather3A_662 : vector<16xf32>
    %broadcast_in_dim3A_664 = vector.broadcast %sub3A_177 : i32 to vector<16xi32>
    %gather3A_665 = arith.constant 3 : i32
    %gather3A_666 = arith.constant 0 : i32
    %gather3A_667 = arith.constant 0 : i32
    %gather3A_668 = tpu.memref_slice %arg6[%gather3A_665, %gather3A_666, %gather3A_667] : memref<8x64x128xf32, #tpu.memory_space<vmem>> -> memref<1x64x128xf32, #tpu.memory_space<vmem>>
    %gather3A_669 = tpu.memref_squeeze %gather3A_668 : memref<1x64x128xf32, #tpu.memory_space<vmem>> -> memref<64x128xf32, #tpu.memory_space<vmem>>
    %gather3A_670 = tpu.vector_load_idx %gather3A_669[%add3A_640, %broadcast_in_dim3A_664] : memref<64x128xf32, #tpu.memory_space<vmem>>[vector<16xi32>, vector<16xi32>], vector<16xf32>,
    %add3A_671 = arith.addf %add3A_663, %gather3A_670 : vector<16xf32>
    %broadcast_in_dim3A_672 = vector.broadcast %sub3A_227 : i32 to vector<16xi32>
    %gather3A_673 = arith.constant 4 : i32
    %gather3A_674 = arith.constant 0 : i32
    %gather3A_675 = arith.constant 0 : i32
    %gather3A_676 = tpu.memref_slice %arg6[%gather3A_673, %gather3A_674, %gather3A_675] : memref<8x64x128xf32, #tpu.memory_space<vmem>> -> memref<1x64x128xf32, #tpu.memory_space<vmem>>
    %gather3A_677 = tpu.memref_squeeze %gather3A_676 : memref<1x64x128xf32, #tpu.memory_space<vmem>> -> memref<64x128xf32, #tpu.memory_space<vmem>>
    %gather3A_678 = tpu.vector_load_idx %gather3A_677[%add3A_640, %broadcast_in_dim3A_672] : memref<64x128xf32, #tpu.memory_space<vmem>>[vector<16xi32>, vector<16xi32>], vector<16xf32>,
    %add3A_679 = arith.addf %add3A_671, %gather3A_678 : vector<16xf32>
    %broadcast_in_dim3A_680 = vector.broadcast %sub3A_277 : i32 to vector<16xi32>
    %gather3A_681 = arith.constant 5 : i32
    %gather3A_682 = arith.constant 0 : i32
    %gather3A_683 = arith.constant 0 : i32
    %gather3A_684 = tpu.memref_slice %arg6[%gather3A_681, %gather3A_682, %gather3A_683] : memref<8x64x128xf32, #tpu.memory_space<vmem>> -> memref<1x64x128xf32, #tpu.memory_space<vmem>>
    %gather3A_685 = tpu.memref_squeeze %gather3A_684 : memref<1x64x128xf32, #tpu.memory_space<vmem>> -> memref<64x128xf32, #tpu.memory_space<vmem>>
    %gather3A_686 = tpu.vector_load_idx %gather3A_685[%add3A_640, %broadcast_in_dim3A_680] : memref<64x128xf32, #tpu.memory_space<vmem>>[vector<16xi32>, vector<16xi32>], vector<16xf32>,
    %add3A_687 = arith.addf %add3A_679, %gather3A_686 : vector<16xf32>
    %broadcast_in_dim3A_688 = vector.broadcast %sub3A_327 : i32 to vector<16xi32>
    %gather3A_689 = arith.constant 6 : i32
    %gather3A_690 = arith.constant 0 : i32
    %gather3A_691 = arith.constant 0 : i32
    %gather3A_692 = tpu.memref_slice %arg6[%gather3A_689, %gather3A_690, %gather3A_691] : memref<8x64x128xf32, #tpu.memory_space<vmem>> -> memref<1x64x128xf32, #tpu.memory_space<vmem>>
    %gather3A_693 = tpu.memref_squeeze %gather3A_692 : memref<1x64x128xf32, #tpu.memory_space<vmem>> -> memref<64x128xf32, #tpu.memory_space<vmem>>
    %gather3A_694 = tpu.vector_load_idx %gather3A_693[%add3A_640, %broadcast_in_dim3A_688] : memref<64x128xf32, #tpu.memory_space<vmem>>[vector<16xi32>, vector<16xi32>], vector<16xf32>,
    %add3A_695 = arith.addf %add3A_687, %gather3A_694 : vector<16xf32>
    %broadcast_in_dim3A_696 = vector.broadcast %sub3A_377 : i32 to vector<16xi32>
    %gather3A_697 = arith.constant 7 : i32
    %gather3A_698 = arith.constant 0 : i32
    %gather3A_699 = arith.constant 0 : i32
    %gather3A_700 = tpu.memref_slice %arg6[%gather3A_697, %gather3A_698, %gather3A_699] : memref<8x64x128xf32, #tpu.memory_space<vmem>> -> memref<1x64x128xf32, #tpu.memory_space<vmem>>
    %gather3A_701 = tpu.memref_squeeze %gather3A_700 : memref<1x64x128xf32, #tpu.memory_space<vmem>> -> memref<64x128xf32, #tpu.memory_space<vmem>>
    %gather3A_702 = tpu.vector_load_idx %gather3A_701[%add3A_640, %broadcast_in_dim3A_696] : memref<64x128xf32, #tpu.memory_space<vmem>>[vector<16xi32>, vector<16xi32>], vector<16xf32>,
    %add3A_703 = arith.addf %add3A_695, %gather3A_702 : vector<16xf32>
    %mul3A_704 = vector.broadcast %select_n3A_497 : f32 to vector<16xf32>
    %mul3A_705 = arith.mulf %add3A_703, %mul3A_704 : vector<16xf32>
    %swap3A_706 = arith.constant 32 : index
    %swap3A_707 = tpu.vector_load %arg7[%swap3A_706] {strides = array<i32>} : memref<64xf32, #tpu.memory_space<vmem>>, vector<16xf32>,
    tpu.vector_store %arg7[%swap3A_706], %mul3A_705 {strides = array<i32>} : memref<64xf32, #tpu.memory_space<vmem>>, vector<16xf32>,
    %iota3A_708 = tpu.iota {dimensions = array<i32: 0>} : vector<16xi32>
    %add3A_709 = arith.constant 48 : i32
    %add3A_710 = vector.broadcast %add3A_709 : i32 to vector<16xi32>
    %add3A_711 = arith.addi %iota3A_708, %add3A_710 : vector<16xi32>
    %broadcast_in_dim3A_712 = vector.broadcast %sub3A_28 : i32 to vector<16xi32>
    %gather3A_713 = arith.constant 0 : i32
    %gather3A_714 = arith.constant 0 : i32
    %gather3A_715 = arith.constant 0 : i32
    %gather3A_716 = tpu.memref_slice %arg6[%gather3A_713, %gather3A_714, %gather3A_715] : memref<8x64x128xf32, #tpu.memory_space<vmem>> -> memref<1x64x128xf32, #tpu.memory_space<vmem>>
    %gather3A_717 = tpu.memref_squeeze %gather3A_716 : memref<1x64x128xf32, #tpu.memory_space<vmem>> -> memref<64x128xf32, #tpu.memory_space<vmem>>
    %gather3A_718 = tpu.vector_load_idx %gather3A_717[%add3A_711, %broadcast_in_dim3A_712] : memref<64x128xf32, #tpu.memory_space<vmem>>[vector<16xi32>, vector<16xi32>], vector<16xf32>,
    %broadcast_in_dim3A_719 = vector.broadcast %sub3A_77 : i32 to vector<16xi32>
    %gather3A_720 = arith.constant 1 : i32
    %gather3A_721 = arith.constant 0 : i32
    %gather3A_722 = arith.constant 0 : i32
    %gather3A_723 = tpu.memref_slice %arg6[%gather3A_720, %gather3A_721, %gather3A_722] : memref<8x64x128xf32, #tpu.memory_space<vmem>> -> memref<1x64x128xf32, #tpu.memory_space<vmem>>
    %gather3A_724 = tpu.memref_squeeze %gather3A_723 : memref<1x64x128xf32, #tpu.memory_space<vmem>> -> memref<64x128xf32, #tpu.memory_space<vmem>>
    %gather3A_725 = tpu.vector_load_idx %gather3A_724[%add3A_711, %broadcast_in_dim3A_719] : memref<64x128xf32, #tpu.memory_space<vmem>>[vector<16xi32>, vector<16xi32>], vector<16xf32>,
    %add3A_726 = arith.addf %gather3A_718, %gather3A_725 : vector<16xf32>
    %broadcast_in_dim3A_727 = vector.broadcast %sub3A_127 : i32 to vector<16xi32>
    %gather3A_728 = arith.constant 2 : i32
    %gather3A_729 = arith.constant 0 : i32
    %gather3A_730 = arith.constant 0 : i32
    %gather3A_731 = tpu.memref_slice %arg6[%gather3A_728, %gather3A_729, %gather3A_730] : memref<8x64x128xf32, #tpu.memory_space<vmem>> -> memref<1x64x128xf32, #tpu.memory_space<vmem>>
    %gather3A_732 = tpu.memref_squeeze %gather3A_731 : memref<1x64x128xf32, #tpu.memory_space<vmem>> -> memref<64x128xf32, #tpu.memory_space<vmem>>
    %gather3A_733 = tpu.vector_load_idx %gather3A_732[%add3A_711, %broadcast_in_dim3A_727] : memref<64x128xf32, #tpu.memory_space<vmem>>[vector<16xi32>, vector<16xi32>], vector<16xf32>,
    %add3A_734 = arith.addf %add3A_726, %gather3A_733 : vector<16xf32>
    %broadcast_in_dim3A_735 = vector.broadcast %sub3A_177 : i32 to vector<16xi32>
    %gather3A_736 = arith.constant 3 : i32
    %gather3A_737 = arith.constant 0 : i32
    %gather3A_738 = arith.constant 0 : i32
    %gather3A_739 = tpu.memref_slice %arg6[%gather3A_736, %gather3A_737, %gather3A_738] : memref<8x64x128xf32, #tpu.memory_space<vmem>> -> memref<1x64x128xf32, #tpu.memory_space<vmem>>
    %gather3A_740 = tpu.memref_squeeze %gather3A_739 : memref<1x64x128xf32, #tpu.memory_space<vmem>> -> memref<64x128xf32, #tpu.memory_space<vmem>>
    %gather3A_741 = tpu.vector_load_idx %gather3A_740[%add3A_711, %broadcast_in_dim3A_735] : memref<64x128xf32, #tpu.memory_space<vmem>>[vector<16xi32>, vector<16xi32>], vector<16xf32>,
    %add3A_742 = arith.addf %add3A_734, %gather3A_741 : vector<16xf32>
    %broadcast_in_dim3A_743 = vector.broadcast %sub3A_227 : i32 to vector<16xi32>
    %gather3A_744 = arith.constant 4 : i32
    %gather3A_745 = arith.constant 0 : i32
    %gather3A_746 = arith.constant 0 : i32
    %gather3A_747 = tpu.memref_slice %arg6[%gather3A_744, %gather3A_745, %gather3A_746] : memref<8x64x128xf32, #tpu.memory_space<vmem>> -> memref<1x64x128xf32, #tpu.memory_space<vmem>>
    %gather3A_748 = tpu.memref_squeeze %gather3A_747 : memref<1x64x128xf32, #tpu.memory_space<vmem>> -> memref<64x128xf32, #tpu.memory_space<vmem>>
    %gather3A_749 = tpu.vector_load_idx %gather3A_748[%add3A_711, %broadcast_in_dim3A_743] : memref<64x128xf32, #tpu.memory_space<vmem>>[vector<16xi32>, vector<16xi32>], vector<16xf32>,
    %add3A_750 = arith.addf %add3A_742, %gather3A_749 : vector<16xf32>
    %broadcast_in_dim3A_751 = vector.broadcast %sub3A_277 : i32 to vector<16xi32>
    %gather3A_752 = arith.constant 5 : i32
    %gather3A_753 = arith.constant 0 : i32
    %gather3A_754 = arith.constant 0 : i32
    %gather3A_755 = tpu.memref_slice %arg6[%gather3A_752, %gather3A_753, %gather3A_754] : memref<8x64x128xf32, #tpu.memory_space<vmem>> -> memref<1x64x128xf32, #tpu.memory_space<vmem>>
    %gather3A_756 = tpu.memref_squeeze %gather3A_755 : memref<1x64x128xf32, #tpu.memory_space<vmem>> -> memref<64x128xf32, #tpu.memory_space<vmem>>
    %gather3A_757 = tpu.vector_load_idx %gather3A_756[%add3A_711, %broadcast_in_dim3A_751] : memref<64x128xf32, #tpu.memory_space<vmem>>[vector<16xi32>, vector<16xi32>], vector<16xf32>,
    %add3A_758 = arith.addf %add3A_750, %gather3A_757 : vector<16xf32>
    %broadcast_in_dim3A_759 = vector.broadcast %sub3A_327 : i32 to vector<16xi32>
    %gather3A_760 = arith.constant 6 : i32
    %gather3A_761 = arith.constant 0 : i32
    %gather3A_762 = arith.constant 0 : i32
    %gather3A_763 = tpu.memref_slice %arg6[%gather3A_760, %gather3A_761, %gather3A_762] : memref<8x64x128xf32, #tpu.memory_space<vmem>> -> memref<1x64x128xf32, #tpu.memory_space<vmem>>
    %gather3A_764 = tpu.memref_squeeze %gather3A_763 : memref<1x64x128xf32, #tpu.memory_space<vmem>> -> memref<64x128xf32, #tpu.memory_space<vmem>>
    %gather3A_765 = tpu.vector_load_idx %gather3A_764[%add3A_711, %broadcast_in_dim3A_759] : memref<64x128xf32, #tpu.memory_space<vmem>>[vector<16xi32>, vector<16xi32>], vector<16xf32>,
    %add3A_766 = arith.addf %add3A_758, %gather3A_765 : vector<16xf32>
    %broadcast_in_dim3A_767 = vector.broadcast %sub3A_377 : i32 to vector<16xi32>
    %gather3A_768 = arith.constant 7 : i32
    %gather3A_769 = arith.constant 0 : i32
    %gather3A_770 = arith.constant 0 : i32
    %gather3A_771 = tpu.memref_slice %arg6[%gather3A_768, %gather3A_769, %gather3A_770] : memref<8x64x128xf32, #tpu.memory_space<vmem>> -> memref<1x64x128xf32, #tpu.memory_space<vmem>>
    %gather3A_772 = tpu.memref_squeeze %gather3A_771 : memref<1x64x128xf32, #tpu.memory_space<vmem>> -> memref<64x128xf32, #tpu.memory_space<vmem>>
    %gather3A_773 = tpu.vector_load_idx %gather3A_772[%add3A_711, %broadcast_in_dim3A_767] : memref<64x128xf32, #tpu.memory_space<vmem>>[vector<16xi32>, vector<16xi32>], vector<16xf32>,
    %add3A_774 = arith.addf %add3A_766, %gather3A_773 : vector<16xf32>
    %mul3A_775 = vector.broadcast %select_n3A_497 : f32 to vector<16xf32>
    %mul3A_776 = arith.mulf %add3A_774, %mul3A_775 : vector<16xf32>
    %swap3A_777 = arith.constant 48 : index
    %swap3A_778 = tpu.vector_load %arg7[%swap3A_777] {strides = array<i32>} : memref<64xf32, #tpu.memory_space<vmem>>, vector<16xf32>,
    tpu.vector_store %arg7[%swap3A_777], %mul3A_776 {strides = array<i32>} : memref<64xf32, #tpu.memory_space<vmem>>, vector<16xf32>,
    "tpu.region"() ({
      %run_scoped3A = tpu.sem_alloc : memref<!tpu.dma_semaphore, #tpu.memory_space<semaphore_mem>>
      %dma_start3A_779 = arith.constant 0 : i32
      %dma_start3A_780 = tpu.memref_slice %arg4[%add3A, %dma_start3A_779] : memref<32x64xf32, #tpu.memory_space<hbm>> -> memref<1x64xf32, #tpu.memory_space<hbm>>
      %dma_start3A_781 = tpu.memref_squeeze %dma_start3A_780 : memref<1x64xf32, #tpu.memory_space<hbm>> -> memref<64xf32, #tpu.memory_space<hbm>>
      %dma_start3A_782 = arith.constant 0 : i32
      %dma_start3A_783 = tpu.memref_slice %arg4[%add3A, %dma_start3A_782] : memref<32x64xf32, #tpu.memory_space<hbm>> -> memref<1x64xf32, #tpu.memory_space<hbm>>
      %dma_start3A_784 = tpu.memref_squeeze %dma_start3A_783 : memref<1x64xf32, #tpu.memory_space<hbm>> -> memref<64xf32, #tpu.memory_space<hbm>>
      tpu.enqueue_dma source(%arg7 : memref<64xf32, #tpu.memory_space<vmem>>) target(%dma_start3A_784 : memref<64xf32, #tpu.memory_space<hbm>>) target_semaphore(%run_scoped3A : memref<!tpu.dma_semaphore, #tpu.memory_space<semaphore_mem>>)
      %dma_wait3A_785 = arith.constant 0 : i32
      %dma_wait3A_786 = tpu.memref_slice %arg4[%add3A, %dma_wait3A_785] : memref<32x64xf32, #tpu.memory_space<hbm>> -> memref<1x64xf32, #tpu.memory_space<hbm>>
      %dma_wait3A_787 = tpu.memref_squeeze %dma_wait3A_786 : memref<1x64xf32, #tpu.memory_space<hbm>> -> memref<64xf32, #tpu.memory_space<hbm>>
      %dma_wait3A_788 = arith.constant 0 : i32
      %dma_wait3A_789 = tpu.memref_slice %arg4[%add3A, %dma_wait3A_788] : memref<32x64xf32, #tpu.memory_space<hbm>> -> memref<1x64xf32, #tpu.memory_space<hbm>>
      %dma_wait3A_790 = tpu.memref_squeeze %dma_wait3A_789 : memref<1x64xf32, #tpu.memory_space<hbm>> -> memref<64xf32, #tpu.memory_space<hbm>>
      tpu.wait_dma2 semaphore(%run_scoped3A : memref<!tpu.dma_semaphore, #tpu.memory_space<semaphore_mem>>) src(%arg7 : memref<64xf32, #tpu.memory_space<vmem>>) dst(%dma_wait3A_790 : memref<64xf32, #tpu.memory_space<hbm>>)
      tpu.yield
    }) : () -> ()
    return
  }
}

module attributes {stable_mosaic.version = 14 : i64} {
  func.func @body(%arg0: i32, %arg1: memref<32x64xf32, #tpu.memory_space<vmem>>, %arg2: memref<64x49152xf32, #tpu.memory_space<vmem>>, %arg3: memref<49152xf32, #tpu.memory_space<vmem>>) attributes {dimension_semantics = [#tpu.dimension_semantics<arbitrary>], iteration_bounds = array<i64: 21>, scalar_prefetch = 0 : i64, scratch_operands = 0 : i64, tpu.core_type = #tpu.core_type<tc>, window_params = [{pipeline_mode = #tpu.pipeline_mode<synchronous>, transform_indices = @transform_0, window_bounds = array<i64: 32, 64>}, {transform_indices = @transform_1, window_bounds = array<i64: 64, 49152>}, {transform_indices = @transform_2, window_bounds = array<i64: 49152>}]} {
    %get3A = arith.constant 0 : index
    %get3A_0 = arith.constant 0 : index
    %get3A_1 = vector.load %arg1[%get3A, %get3A_0] : memref<32x64xf32, #tpu.memory_space<vmem>>, vector<32x64xf32>
    %reduce_sum3A = arith.constant dense<0.000000e+00> : vector<64xf32>
    %reduce_sum3A_2 = vector.multi_reduction <add>, %get3A_1, %reduce_sum3A [0] : vector<32x64xf32> to vector<64xf32>
    %reshape3A = vector.shape_cast %reduce_sum3A_2 : vector<64xf32> to vector<1x64xf32>
    %get3A_3 = arith.constant 0 : index
    %get3A_4 = arith.constant 0 : index
    %get3A_5 = vector.load %arg2[%get3A_3, %get3A_4] : memref<64x49152xf32, #tpu.memory_space<vmem>>, vector<64x49152xf32>
    %dot_general3A = arith.constant dense<0.000000e+00> : vector<1x49152xf32>
    %dot_general3A_6 = tpu.matmul %reshape3A, %get3A_5, %dot_general3A {dimension_numbers = #tpu.dot_dimension_numbers<[1], [0], [0], [1], [0, 0, 1, 1], [], []>, transpose_lhs_hint = false} : vector<1x64xf32>, vector<64x49152xf32>, vector<1x49152xf32> -> vector<1x49152xf32>
    %reshape3A_7 = vector.shape_cast %dot_general3A_6 : vector<1x49152xf32> to vector<49152xf32>
    %swap3A = arith.constant 0 : index
    %swap3A_8 = vector.load %arg3[%swap3A] : memref<49152xf32, #tpu.memory_space<vmem>>, vector<49152xf32>
    tpu.vector_store %arg3[%swap3A], %reshape3A_7 {strides = array<i32>} : memref<49152xf32, #tpu.memory_space<vmem>>, vector<49152xf32>,
    return
  }
  func.func @transform_0(%arg0: i32) -> (i32, i32) {
    %c0_i32 = arith.constant 0 : i32
    %c0_i32_0 = arith.constant 0 : i32
    %c0_i32_1 = arith.constant 0 : i32
    return %c0_i32, %c0_i32_0 : i32, i32
  }
  func.func @transform_1(%arg0: i32) -> (i32, i32) {
    %c0_i32 = arith.constant 0 : i32
    %c0_i32_0 = arith.constant 0 : i32
    return %c0_i32, %arg0 : i32, i32
  }
  func.func @transform_2(%arg0: i32) -> i32 {
    %c0_i32 = arith.constant 0 : i32
    return %arg0 : i32
  }
}

</mosaic_0001>

<sc_bundles>
// kernel: kernel.4.cloned.1.call-start
scs
__scs_entry_jumppad:
0x0: {  	(pc) =	sbr.rel $0x88, $3  }
0x1: {  	(tag) =	ssettag $0x0;
	lr =	simm.s32 $0x1  }
0x2: {  	[smem:$0x3F9E] =	sst lr;
	_ =	strace $0xD0000000  }
0x3: {  	_ = 	snop  }
0x4: {  	_ = 	snop  }
0x5: {  	_ = 	snop  }
0x6: {  	_ = 	snop  }
0x7: {  	_ = 	snop  }
__scs_overlays_trampoline_lowered:
0x8: {  	[smem:$0x3FAD] =	sst s0  }
0x9: {  	[smem:$0x3FAE] =	sst s1  }
0xa: {  	[smem:$0x3FAF] =	sst s2  }
0xb: {  	[smem:$0x3FB0] =	sst s3  }
0xc: {  	[smem:$0x3FB1] =	sst s4  }
0xd: {  	[smem:$0x3FB2] =	sst s5  }
0xe: {  	[smem:$0x3FB3] =	sst s6  }
0xf: {  	[smem:$0x3FB4] =	sst s7  }
0x10: {  	[smem:$0x3FB5] =	sst s8  }
0x11: {  	[smem:$0x3FB6] =	sst s9;
	s0 =	simm.s32 @!p0 $0x0  }
0x12: {  	s1 =	sld [smem:$0x3F9C];
	s0 =	simm.s32 @p0 $0x1  }
0x13: {  	[smem:$0x3FB7] =	sst s0;
	s0 =	simm.s32 @!p1 $0x0  }
0x14: {  	s2 =	sld [smem:$0x3F9B];
	s0 =	simm.s32 @p1 $0x1  }
0x15: {  	[smem:$0x3FB8] =	sst s0;
	s0 =	simm.s32 @!p2 $0x0  }
0x16: {  	s3 =	sld [smem:$0x3FDB];
	s0 =	simm.s32 @p2 $0x1  }
0x17: {  	s4 =	simm.s32 $0x1BF5;
	[smem:$0x3FBA] =	sst s0  }
0x18: {  	s0 =	sld [smem:$0x3F9D];
	_ =	swait.ge [sflag:s4], $0x0  }
0x19: {  	s7 =	sld [smem:$0x3F9E]  }
0x1a: {  	s8 =	sadd.s32 $0xFFFFE003, lr  }
0x1b: {  	s9 =	sadd.s32 $0xFFFFFEF7, lr;
	s5 =	simm.s32 $0xFFFFFFFF;
	p2 =	slt.u32 s8, $0xFFFFF086  }
0x1c: {  	p1 =	slt.u32 s9, $0xF7A;
	s5 =	simm.s32 @!p2 $0x0  }
0x1d: {  	s5 =	simm.s32 @p1 $0x1;
	p0 =	seq.s32 s7, s2  }
0x1e: {  	s7 =	smul.u32 @!p0 $0xF7A, s2;
	p2 =	seq.s32 @!p0 s5, $0x0  }
0x1f: {  	s9 =	smul.u32 $0xF7A, s1;
	s8 =	simm.s32 @!p0 $0x1BF5;
	p2 =	por !p2, p0  }
0x20: {  	[sflag:s8] =	ssyncset.s32 @!p0 $0xFFFFF086;
	s6 =	sadd.s32 @!p0 s3, s7;
	s7 =	simm.s32 @!p0 $0x108  }
0x21: {  	s3 =	sadd.s32 s3, s9;
	s6 =	sadd.s32 @!p0 $0x88, s6;
	s7 =	simm.s32 @p2 $0x1082  }
0x22: {  	[simem:s7], [sflag:s8] =	dma.local @!p0 [hbm:s6], $0xF7A  }
0x23: {  	s9 =	sor.u32 $0xD0000000, s2;
	s6 =	simm.s32 $0x108;
	_ =	swait.ge @!p0 [sflag:s8], $0x0  }
0x24: {  	s3 =	sadd.s32 $0x88, s3;
	s6 =	simm.s32 @!p1 $0x1082;
	[sflag:s4] =	ssyncset.s32 $0xFFFFF086  }
0x25: {  	[simem:s6], [sflag:s4] =	dma.local [hbm:s3], $0xF7A  }
0x26: {  	[smem:$0x3F9E] =	sst s1;
	(tag) =	ssettag s2;
	_ =	strace s9  }
0x27: {  	s1 =	sld [smem:$0x3FAE]  }
0x28: {  	s2 =	sld [smem:$0x3FAF]  }
0x29: {  	s4 =	sld [smem:$0x3FB1]  }
0x2a: {  	p0 =	seq.s32 s5, $0x0;
	s5 =	sld [smem:$0x3FB2]  }
0x2b: {  	s6 =	sld [smem:$0x3FB3]  }
0x2c: {  	s7 =	sld [smem:$0x3FB4]  }
0x2d: {  	s3 =	simm.s32 $0x108;
	s8 =	sld [smem:$0x3FB5]  }
0x2e: {  	s3 =	simm.s32 @!p0 $0x1082;
	s9 =	sld [smem:$0x3FB6]  }
0x2f: {  	lr =	sadd.s32 s0, s3;
	s0 =	sld [smem:$0x3FAD]  }
0x30: {  	s3 =	sld [smem:$0x3FB0]  }
0x31: {  	[smem:$0x3FB9] =	sst s10  }
0x32: {  	s10 =	sld [smem:$0x3FB7];
	_ =	sdelay $0x3  }
0x33: {  	p0 =	seq.s32 s10, $0x1;
	s10 =	sld [smem:$0x3FB9];
	_ =	sdelay $0x3  }
0x34: {  	[smem:$0x3FB9] =	sst s10  }
0x35: {  	s10 =	sld [smem:$0x3FB8];
	_ =	sdelay $0x3  }
0x36: {  	p1 =	seq.s32 s10, $0x1;
	s10 =	sld [smem:$0x3FB9];
	_ =	sdelay $0x3  }
0x37: {  	[smem:$0x3FB9] =	sst s10  }
0x38: {  	s10 =	sld [smem:$0x3FBA]  }
0x39: {  	_ = 	snop;
	(pc) =	sbr.ind lr, $3  }
0x3a: {  	_ = 	snop  }
0x3b: {  	_ = 	snop  }
0x3c: {  	p2 =	seq.s32 s10, $0x1;
	s10 =	sld [smem:$0x3FB9]  }
0x3d: {  	_ =	shalt  }
0x3e: {  	_ =	shalt  }
0x3f: {  	_ =	shalt  }
0x40: {  	_ =	shalt  }
0x41: {  	_ =	shalt  }
0x42: {  	_ =	shalt  }
0x43: {  	_ =	shalt  }
0x44: {  	_ =	shalt  }
0x45: {  	_ =	shalt  }
0x46: {  	_ =	shalt  }
0x47: {  	_ =	shalt  }
0x48: {  	_ =	shalt  }
0x49: {  	_ =	shalt  }
0x4a: {  	_ =	shalt  }
0x4b: {  	_ =	shalt  }
0x4c: {  	_ =	shalt  }
0x4d: {  	_ =	shalt  }
0x4e: {  	_ =	shalt  }
0x4f: {  	_ =	shalt  }
0x50: {  	_ =	shalt  }
0x51: {  	_ =	shalt  }
0x52: {  	_ =	shalt  }
0x53: {  	_ =	shalt  }
0x54: {  	_ =	shalt  }
0x55: {  	_ =	shalt  }
0x56: {  	_ =	shalt  }
0x57: {  	_ =	shalt  }
0x58: {  	_ =	shalt  }
0x59: {  	_ =	shalt  }
0x5a: {  	_ =	shalt  }
0x5b: {  	_ =	shalt  }
0x5c: {  	_ =	shalt  }
0x5d: {  	_ =	shalt  }
0x5e: {  	_ =	shalt  }
0x5f: {  	_ =	shalt  }
0x60: {  	_ =	shalt  }
0x61: {  	_ =	shalt  }
0x62: {  	_ =	shalt  }
0x63: {  	_ =	shalt  }
0x64: {  	_ =	shalt  }
0x65: {  	_ =	shalt  }
0x66: {  	_ =	shalt  }
0x67: {  	_ =	shalt  }
0x68: {  	_ =	shalt  }
0x69: {  	_ =	shalt  }
0x6a: {  	_ =	shalt  }
0x6b: {  	_ =	shalt  }
0x6c: {  	_ =	shalt  }
0x6d: {  	_ =	shalt  }
0x6e: {  	_ =	shalt  }
0x6f: {  	_ =	shalt  }
0x70: {  	_ =	shalt  }
0x71: {  	_ =	shalt  }
0x72: {  	_ =	shalt  }
0x73: {  	_ =	shalt  }
0x74: {  	_ =	shalt  }
0x75: {  	_ =	shalt  }
0x76: {  	_ =	shalt  }
0x77: {  	_ =	shalt  }
0x78: {  	_ =	shalt  }
0x79: {  	_ =	shalt  }
0x7a: {  	_ =	shalt  }
0x7b: {  	_ =	shalt  }
0x7c: {  	_ =	shalt  }
0x7d: {  	_ =	shalt  }
0x7e: {  	_ =	shalt  }
0x7f: {  	_ =	shalt  }
0x80: {  	_ =	shalt  }
0x81: {  	_ =	shalt  }
0x82: {  	_ =	shalt  }
0x83: {  	_ =	shalt  }
0x84: {  	_ =	shalt  }
0x85: {  	_ =	shalt  }
0x86: {  	_ =	shalt  }
0x87: {  	_ =	shalt  }
.Lfunc_end0:
.L_simem_size_0:
called_computation_lowered:
.L_overlay_start_0:
0x88: {  	s2 =	sld [smem:$0x3FD9]  }
0x89: {  	s3 =	sld [smem:$0x3FFE];
	_ =	sdelay $0x1  }
0x8a: {  	s1 =	srdreg.scid  }
0x8b: {  	s0 =	sand.u32 $0x1, s1  }
0x8c: {  	s17 =	sshll.u32 s0, $0xA;
	s2 =	sadd.s32 s3, s2  }
0x8d: {  	s2 =	sadd.s32 s2, s17  }
0x8e: {  	[smem:$0x3FC5] =	sst s2  }
0x8f: {  	_ = 	snop  }
0x90: {  	s2 =	sld [smem:$0x3FC8]  }
0x91: {  	s18 =	sld [smem:$0x3FD0];
	(tm) =	ssettm $0x1  }
0x92: {  	s4 =	sld [smem:$0x3FFB];
	_ =	sdelay $0x3  }
0x93: {  	_ =	strace s4  }
0x94: {  	s4 =	sld [smem:$0x3FFC];
	_ =	sdelay $0x3  }
0x95: {  	_ =	strace s4  }
0x96: {  	s4 =	sld [smem:$0x3FFD];
	_ =	sdelay $0x3  }
0x97: {  	_ =	strace s4  }
0x98: {  	_ =	strace $0x8FFFFFFF  }
0x99: {  	s19 =	sld [smem:$0x3FDB];
	_ =	sdelay $0x1  }
0x9a: {  	s5 =	simm.s32 $_scs_section_size  }
0x9b: {  	s6 =	simm.s32 $_size__tile_overlayer_lowered;
	s7 =	simm.s32 $_tile_overlayer_lowered  }
0x9c: {  	s22 =	simm.s32 $0x1BFF;
	s21 =	sshll.u32 s7, $0x1;
	s4 =	sadd.s32 s5, s19  }
0x9d: {  	s8 =	simm.s32 $0x0;
	s20 =	sshll.u32 s6, $0x1;
	s6 =	sadd.s32 s21, s4  }
0x9e: {  	[timem:s8], [sflag:s22] =	dma.local [hbm:s6], s20  }
0x9f: {  	_ =	swait.ge [sflag:s22], s20  }
0xa0: {  	s5 =	ssub.s32 $0x0, s20;
	[sflag:s22] =	ssyncset.done $0x0  }
0xa1: {  	[sflag:s22] =	ssyncadd.s32 s5;
	_ =	sdelay $0x1  }
0xa2: {  	s23 =	simm.s32 $0x1B8B  }
0xa3: {  	_ =	swait.ge [sflag:s23], $0x1  }
0xa4: {  	[sflag:s23] =	ssyncset.done $0x0  }
0xa5: {  	s25 =	simm.s32 $0x1B8E;
	s24 =	sld [smem:$0x3FFE];
	[sflag:s23] =	ssyncadd.s32 $0xFFFFFFFF  }
0xa6: {  	s26 =	simm.s32 $execute0_lowered;
	[smem:$0x3FD2] =	sst s25  }
0xa7: {  	s6 =	sshll.u32 s26, $0x1;
	_ =	strace $0x80000046;
	[dreg:$0x1] =	wrdreg $0xFFFFFFFF  }
0xa8: {  	s28 =	simm.s32 $_size_execute0_lowered;
	s4 =	sadd.s32 s4, s6;
	[dreg:$0x0] =	wrdreg $0x0  }
0xa9: {  	s6 =	sshll.u32 s28, $0x1;
	[dreg:$0x2] =	wrdreg s4  }
0xaa: {  	[dreg:$0x3] =	wrdreg s6  }
0xab: {  	[dreg:$0x4] =	wrdreg $0xC0  }
0xac: {  	_ =	task [dreg:s8], $0x5FFFF  }
0xad: {  	[dreg:$0x1] =	wrdreg $0xFFFFFFFF  }
0xae: {  	[dreg:$0x0] =	wrdreg $0x60  }
0xaf: {  	[dreg:$0x2] =	wrdreg s24  }
0xb0: {  	[dreg:$0x3] =	wrdreg s2  }
0xb1: {  	[dreg:$0x4] =	wrdreg s18  }
0xb2: {  	[dreg:$0x5] =	wrdreg $0x9  }
0xb3: {  	_ =	task.clear_ibuf [dreg:s8], $0x6FFFF;
	_ =	strace $0x90000046  }
0xb4: {  	s29 =	simm.s32 $0x9;
	_ =	strace $0x80000048  }
0xb5: {  	_ =	swait.ge [sflag:s29], $0x1  }
0xb6: {  	[sflag:s29] =	ssyncadd.s32 $0xFFFFFFFF  }
0xb7: {  	_ =	strace $0x90000048  }
0xb8: {  	_ =	sfence  }
0xb9: {  	s30 =	sld [smem:$0x0];
	_ =	sdelay $0x2  }
0xba: {  	s31 =	sshll.u32 s1, $0xD;
	s1 =	sshrl.u32 s1, $0x2  }
0xbb: {  	s3 =	sand.u32 $0x4000, s31;
	s1 =	sadd.s32 s1, s30  }
0xbc: {  	s0 =	sor.u32 s3, s0;
	s1 =	sshll.u32 s1, $0x11  }
0xbd: {  	s0 =	sor.u32 s1, s0  }
0xbe: {  	s0 =	sadd.s32 $0x8F2B, s0  }
0xbf: {  	[sflag:s0] =	ssyncadd.remote.s32 $0x1  }
0xc0: {  	_ =	sfence.sel $0xFFFF  }
0xc1: {  	[dreg:$0x0] =	wrdreg $0xFFFFFFFF;
	(pc) =	sbr.abs _section_cstart, $3  }
0xc2: {  	[dreg:$0x1] =	wrdreg $0xFFFFFFFF  }
0xc3: {  	_ =	task.clear_ibuf [dreg:s8], $0x2FFFF;
	_ =	strace $0x9FFFFFFF  }
0xc4: {  	(tm) =	ssettm $0x7FFFFFFF  }
0xc5: {  	_ =	shalt  }
tec
execute0_lowered:
.L_overlay_start_1:
0x0: {  	(tag) =	ssettag $0x1  }
0x1: {  	s1 =	rddreg [dreg:$0x0]  }
0x2: {  	s2 =	srdreg.scid;
	s0 =	stileid.u32  }
0x3: {  	s4 =	rddreg [dreg:$0x1];
	s10 =	sand.u32 $0x1, s2;
	s5 =	sshll.u32 s0, $0x1  }
0x4: {  	s3 =	rddreg [dreg:$0x2];
	s20 =	simm.s32 $0x0;
	s23 =	sor.u32 s10, s5  }
0x5: {  	s24 =	simm.s32 $0x10080;
	[smem:$0x7FF] =	sst s20;
	s1 =	sadd.s32 s23, s1  }
0x6: {  	_ =	strace $0x80000047;
	[dreg:$0x6] =	wrdreg s24;
	s1 =	sadd.s32 $0x600, s1  }
0x7: {  	s21 =	sshll.u32 s23, $0x4;
	[dreg:$0x4] =	wrdreg s1  }
0x8: {  	s1 =	sadd.s32 s3, s21;
	s22 =	rddreg [dreg:$0x4]  }
0x9: {  	s25 =	simm.s32 $0x2;
	[dreg:$0x5] =	wrdreg s1  }
0xa: {  	[tilespmem:s20], [sflag:$0x2] =	stream.linear.gather [hbm4b:s22+s20], $0x10, $0x38;
	[tilespmem:$0x10100] =	vst v63  }
0xb: {  	_ =	swait.ge [sflag:s25], $0x10  }
0xc: {  	[sflag:s25] =	ssyncset.done $0x0  }
0xd: {  	[sflag:s25] =	ssyncadd.s32 $0xFFFFFFF0  }
0xe: {  	v8 =	vld [tilespmem:$0x0];
	_ =	sdelay $0x2  }
0xf: {  	vm0 =	vcmask $0x300;
	v7 =	vimm.s32 $0x0;
	vm9 =	vcmask $0x704  }
0x10: {  	vm10 =	vcmask $0xB08;
	vm11 =	vcmask $0xF0C;
	v0 =	vsel vm0, $0xFFFFFFFF, v7  }
0x11: {  	vm12 =	vcmask $0x1310;
	v1 =	vsel vm9, $0xFFFFFFFF, v7;
	v2 =	vand.u32 v0, v8  }
0x12: {  	vm13 =	vcmask $0x1714;
	v4 =	vand.u32 v1, v8;
	(xrf0) =	vadd.scan.msk.s32 $0xffff, v2;
	v2 =	vsel vm10, $0xFFFFFFFF, v7  }
0x13: {  	vm14 =	vcmask $0x1B18;
	v3 =	vsel vm11, $0xFFFFFFFF, v7;
	v5 =	vand.u32 v2, v8;
	(xrf0) =	vadd.scan.msk.s32 $0xffff, v4  }
0x14: {  	v6 =	vand.u32 v3, v8;
	v4 =	vsel vm12, $0xFFFFFFFF, v7;
	(xrf0) =	vadd.scan.msk.s32 $0xffff, v5;
	v5 =	vsel vm13, $0xFFFFFFFF, v7  }
0x15: {  	v9 =	vand.u32 v4, v8;
	(xrf0) =	vadd.scan.msk.s32 $0xffff, v6;
	v6 =	vsel vm14, $0xFFFFFFFF, v7;
	v10 =	vand.u32 v5, v8  }
0x16: {  	(xrf0) =	vadd.scan.msk.s32 $0xffff, v9;
	v9 =	vand.u32 v6, v8;
	_ =	sdelay $0x1  }
0x17: {  	(xrf0) =	vadd.scan.msk.s32 $0xffff, v10;
	v10, _, _ =	vpop (xrf0)  }
0x18: {  	(xrf0) =	vadd.scan.msk.s32 $0xffff, v9;
	(v2sf) =	vpush v10, $0xF;
	v9, _, _ =	vpop (xrf0)  }
0x19: {  	(v2sf) =	vpush v9, $0xF;
	v9, _, _ =	vpop (xrf0)  }
0x1a: {  	(v2sf) =	vpush v9, $0xF  }
0x1b: {  	v9, _, _ =	vpop (xrf0)  }
0x1c: {  	(v2sf) =	vpush v9, $0xF;
	_ =	sdelay $0x2  }
0x1d: {  	v9, _, _ =	vpop (xrf0)  }
0x1e: {  	v10, _, _ =	vpop (xrf0)  }
0x1f: {  	(v2sf) =	vpush v10, $0xF  }
0x20: {  	v10, _, _ =	vpop (xrf0)  }
0x21: {  	(v2sf) =	vpush v10, $0xF;
	_ =	sdelay $0x1  }
0x22: {  	s6 =	simm.s32 $0x400;
	s9 =	simm.s32 $0x7A1400;
	s8 =	simm.s32 $0x4080  }
0x23: {  	s13 =	simm.s32 $0x1;
	s0 =	simm.s32 $0x6080;
	s5 =	simm.s32 $0x2080  }
0x24: {  	s24 =	simm.s32 $0x1;
	s3 =	simm.s32 $0x80;
	s17 =	spop (v2sf)  }
0x25: {  	s26 =	sand.u32 $0x7F, s17;
	s22 =	spop (v2sf);
	p0 =	slt.s32 s17, $0x1  }
0x26: {  	s28 =	sshra.s32 s17, $0x1F;
	p1 =	sne.s32 s26, $0x0;
	s21 =	spop (v2sf)  }
0x27: {  	s1 =	sshrl.u32 s28, $0x19;
	s11 =	sand.u32 $0x7F, s22;
	p2 =	slt.s32 s22, $0x1  }
0x28: {  	s2 =	sshra.s32 s22, $0x1F;
	p0 =	por !p0, !p1;
	s19 =	spop (v2sf)  }
0x29: {  	s12 =	sshra.s32 s21, $0x1F;
	s1 =	sadd.s32 s1, s17;
	p4 =	sne.s32 s11, $0x0  }
0x2a: {  	s30 =	sand.u32 $0x7F, s21;
	p6 =	slt.s32 s21, $0x1;
	p0 =	por !p0, !p0  }
0x2b: {  	s12 =	sshrl.u32 s12, $0x19;
	s1 =	sshrl.u32 s1, $0x7;
	s14 =	sshra.s32 s19, $0x1F  }
0x2c: {  	p3 =	sne.s32 s30, $0x0;
	p5 =	slt.s32 s19, $0x1;
	p1 =	por !p2, !p4  }
0x2d: {  	(v2sf) =	vpush v9, $0xF;
	s15 =	sand.u32 $0x7F, s19;
	s13 =	simm.s32 @!p0 $0x0;
	s20 =	spop (v2sf)  }
0x2e: {  	s29 =	sadd.s32 s12, s21;
	s31 =	sshrl.u32 s14, $0x19;
	p1 =	por !p1, !p1  }
0x2f: {  	s14 =	simm.s32 $0x1;
	p2 =	por !p6, !p3;
	s18 =	spop (v2sf)  }
0x30: {  	s11 =	sshrl.u32 s29, $0x7;
	s1 =	ssub.s32 s1, s13;
	s12 =	sadd.s32 s31, s19  }
0x31: {  	s14 =	simm.s32 @!p1 $0x0;
	s13 =	sshrl.u32 s2, $0x19;
	p1 =	por !p2, !p2  }
0x32: {  	p2 =	sne.s32 s15, $0x0;
	p3 =	slt.s32 s20, $0x1;
	s31 =	sand.u32 $0x7F, s20  }
0x33: {  	s12 =	sshrl.u32 s12, $0x7;
	s13 =	sadd.s32 s13, s22;
	s24 =	simm.s32 @!p1 $0x0  }
0x34: {  	p0 =	por !p5, !p2;
	s28 =	sshll.u32 s1, $0x7;
	s1 =	simm.s32 $0x1  }
0x35: {  	s13 =	sshrl.u32 s13, $0x7;
	s11 =	ssub.s32 s11, s24;
	p0 =	por !p0, !p0  }
0x36: {  	vm15 =	vcmask $0x1F1C;
	s7 =	sand.u32 $0x1FFFFF80, s28;
	s13 =	ssub.s32 s13, s14;
	s24 =	sshll.u32 s11, $0x7  }
0x37: {  	v7 =	vsel vm15, $0xFFFFFFFF, v7;
	s1 =	simm.s32 @!p0 $0x0;
	s11 =	sadd.s32 s4, s7;
	s25 =	sshll.u32 s13, $0x7  }
0x38: {  	v8 =	vand.u32 v7, v8;
	[tilespmem:s3], [sflag:$0x1] =	stream.strided.gather [hbm4b:s11+s6], $0x2000, s9, s6, $0x38;
	[tilespmem:$0x10100] =	vst v63  }
0x39: {  	(xrf0) =	vadd.scan.msk.s32 $0xffff, v8;
	s2 =	sshra.s32 s20, $0x1F;
	s1 =	ssub.s32 s12, s1;
	s13 =	sand.u32 $0x1FFFFF80, s25  }
0x3a: {  	s14 =	sand.u32 $0x1FFFFF80, s24;
	s29 =	sshll.u32 s1, $0x7;
	s13 =	sadd.s32 s4, s13  }
0x3b: {  	[tilespmem:s5], [sflag:$0x1] =	stream.strided.gather [hbm4b:s13+s6], $0x2000, s9, s6, $0x38;
	[tilespmem:$0x10100] =	vst v63  }
0x3c: {  	s11 =	sadd.s32 s4, s14;
	s16 =	sand.u32 $0x1FFFFF80, s29;
	s26 =	spop (v2sf)  }
0x3d: {  	[tilespmem:s8], [sflag:$0x1] =	stream.strided.gather [hbm4b:s11+s6], $0x2000, s9, s6, $0x38;
	[tilespmem:$0x10100] =	vst v63  }
0x3e: {  	p6 =	sne.s32 s31, $0x0;
	s30 =	sadd.s32 s4, s16;
	s15 =	sand.u32 $0x7F, s26  }
0x3f: {  	v8, _, _ =	vpop (xrf0);
	[tilespmem:s0], [sflag:$0x1] =	stream.strided.gather [hbm4b:s30+s6], $0x2000, s9, s6, $0x38;
	[tilespmem:$0x10100] =	vst v63  }
0x40: {  	(v2sf) =	vpush v8, $0xF;
	p4 =	slt.s32 s26, $0x1;
	p5 =	sne.s32 s15, $0x0;
	s0 =	sshra.s32 s26, $0x1F  }
0x41: {  	p0 =	por !p3, !p6;
	p1 =	por !p4, !p5;
	s11 =	sshrl.u32 s0, $0x19  }
0x42: {  	s12 =	simm.s32 $0x1;
	s11 =	sadd.s32 s11, s26;
	p1 =	por !p1, !p1  }
0x43: {  	p0 =	por !p0, !p0;
	s11 =	sshrl.u32 s11, $0x7;
	s12 =	simm.s32 @!p1 $0x0  }
0x44: {  	s1 =	sshrl.u32 s2, $0x19;
	s2 =	simm.s32 $0x8080;
	s11 =	ssub.s32 s11, s12  }
0x45: {  	s1 =	sadd.s32 s1, s20;
	s30 =	sshll.u32 s11, $0x7;
	s11 =	simm.s32 $0x1  }
0x46: {  	s1 =	sshrl.u32 s1, $0x7;
	s11 =	simm.s32 @!p0 $0x0;
	s7 =	sand.u32 $0x1FFFFF80, s30  }
0x47: {  	s15 =	sshra.s32 s18, $0x1F;
	s1 =	ssub.s32 s1, s11;
	s12 =	sadd.s32 s4, s7  }
0x48: {  	[tilespmem:s2], [sflag:$0x1] =	stream.strided.gather [hbm4b:s12+s6], $0x2000, s9, s6, $0x38;
	[tilespmem:$0x10100] =	vst v63  }
0x49: {  	p4 =	slt.s32 s18, $0x1;
	s31 =	sshll.u32 s1, $0x7;
	s12 =	sand.u32 $0x7F, s18  }
0x4a: {  	s13 =	sand.u32 $0x1FFFFF80, s31;
	p3 =	sne.s32 s12, $0x0;
	s12 =	simm.s32 $0xA080  }
0x4b: {  	s14 =	sadd.s32 s4, s13;
	p0 =	por !p4, !p3;
	s13 =	sshrl.u32 s15, $0x19  }
0x4c: {  	[tilespmem:s12], [sflag:$0x1] =	stream.strided.gather [hbm4b:s14+s6], $0x2000, s9, s6, $0x38;
	[tilespmem:$0x10100] =	vst v63  }
0x4d: {  	s15 =	simm.s32 $0x1;
	p0 =	por !p0, !p0;
	s13 =	sadd.s32 s13, s18  }
0x4e: {  	s13 =	sshrl.u32 s13, $0x7;
	s15 =	simm.s32 @!p0 $0x0  }
0x4f: {  	s1 =	spop (v2sf);
	s13 =	ssub.s32 s13, s15  }
0x50: {  	s16 =	sand.u32 $0x7F, s1;
	s0 =	sshra.s32 s1, $0x1F;
	p6 =	slt.s32 s1, $0x1  }
0x51: {  	p5 =	sne.s32 s16, $0x0;
	s14 =	sshrl.u32 s0, $0x19;
	s16 =	sshll.u32 s13, $0x7  }
0x52: {  	s13 =	simm.s32 $0x1;
	s14 =	sadd.s32 s14, s1;
	p0 =	por !p6, !p5  }
0x53: {  	s7 =	sand.u32 $0x1FFFFF80, s16;
	p0 =	por !p0, !p0;
	s14 =	sshrl.u32 s14, $0x7  }
0x54: {  	s15 =	sadd.s32 s4, s7;
	s7 =	simm.s32 $0xC080;
	s13 =	simm.s32 @!p0 $0x0  }
0x55: {  	[tilespmem:s7], [sflag:$0x1] =	stream.strided.gather [hbm4b:s15+s6], $0x2000, s9, s6, $0x38;
	[tilespmem:$0x10100] =	vst v63  }
0x56: {  	s14 =	ssub.s32 s14, s13  }
0x57: {  	s11 =	sshll.u32 s14, $0x7  }
0x58: {  	s14 =	sand.u32 $0x1FFFFF80, s11  }
0x59: {  	s15 =	simm.s32 $0x1;
	s13 =	sadd.s32 s4, s14;
	s14 =	simm.s32 $0xE080  }
0x5a: {  	[tilespmem:s14], [sflag:$0x1] =	stream.strided.gather [hbm4b:s13+s6], $0x2000, s9, s6, $0x38;
	[tilespmem:$0x10100] =	vst v63  }
0x5b: {  	_ =	swait.ge [sflag:s15], $0x2000  }
0x5c: {  	[sflag:s15] =	ssyncset.done $0x0  }
0x5d: {  	[sflag:s15] =	ssyncadd.s32 $0xFFFFE000  }
0x5e: {  	_ =	swait.ge [sflag:s15], $0x2000  }
0x5f: {  	[sflag:s15] =	ssyncset.done $0x0  }
0x60: {  	[sflag:s15] =	ssyncadd.s32 $0xFFFFE000  }
0x61: {  	_ =	swait.ge [sflag:s15], $0x2000  }
0x62: {  	[sflag:s15] =	ssyncset.done $0x0  }
0x63: {  	[sflag:s15] =	ssyncadd.s32 $0xFFFFE000  }
0x64: {  	_ =	swait.ge [sflag:s15], $0x2000  }
0x65: {  	[sflag:s15] =	ssyncset.done $0x0  }
0x66: {  	[sflag:s15] =	ssyncadd.s32 $0xFFFFE000  }
0x67: {  	_ =	swait.ge [sflag:s15], $0x2000  }
0x68: {  	[sflag:s15] =	ssyncset.done $0x0  }
0x69: {  	[sflag:s15] =	ssyncadd.s32 $0xFFFFE000  }
0x6a: {  	_ =	swait.ge [sflag:s15], $0x2000  }
0x6b: {  	v8 =	vlaneseq.u32;
	[sflag:s15] =	ssyncset.done $0x0  }
0x6c: {  	v8 =	vmul.u32 $0x80, v8;
	[sflag:s15] =	ssyncadd.s32 $0xFFFFE000  }
0x6d: {  	s28 =	ssub.s32 s17, s28;
	_ =	swait.ge [sflag:s15], $0x2000  }
0x6e: {  	s25 =	ssub.s32 s22, s25;
	v9 =	vadd.s32 s28, v8;
	[sflag:s15] =	ssyncset.done $0x0  }
0x6f: {  	v10 =	vadd.s32 s25, v8;
	[sflag:s15] =	ssyncadd.s32 $0xFFFFE000  }
0x70: {  	s22 =	ssub.s32 s21, s24;
	_ =	swait.ge [sflag:s15], $0x2000  }
0x71: {  	v11 =	vadd.s32 s22, v8;
	[sflag:s15] =	ssyncset.done $0x0  }
0x72: {  	s21 =	ssub.s32 s19, s29;
	[sflag:s15] =	ssyncadd.s32 $0xFFFFE000  }
0x73: {  	v12 =	vadd.s32 s21, v8;
	v9 =	vld.idx.msk [tilespmem:v9+s3+$0x0], $0xffff  }
0x74: {  	s17 =	ssub.s32 s26, s30;
	v10 =	vld.idx.msk [tilespmem:v10+s5+$0x0], $0xffff  }
0x75: {  	v13 =	vadd.s32 s17, v8  }
0x76: {  	s19 =	ssub.s32 s20, s31;
	v11 =	vld.idx.msk [tilespmem:v11+s8+$0x0], $0xffff  }
0x77: {  	s26 =	simm.s32 $0x6080;
	v14 =	vadd.s32 s19, v8  }
0x78: {  	s18 =	ssub.s32 s18, s16;
	v12 =	vld.idx.msk [tilespmem:v12+s26+$0x0], $0xffff  }
0x79: {  	v15 =	vadd.s32 s18, v8;
	v9 =	vadd.f32 v10, v9  }
0x7a: {  	s20 =	ssub.s32 s1, s11;
	v10 =	vld.idx.msk [tilespmem:v13+s2+$0x0], $0xffff  }
0x7b: {  	v13 =	vadd.s32 s20, v8;
	v9 =	vadd.f32 v11, v9  }
0x7c: {  	v11 =	vld.idx.msk [tilespmem:v14+s12+$0x0], $0xffff  }
0x7d: {  	v9 =	vadd.f32 v12, v9  }
0x7e: {  	v12 =	vld.idx.msk [tilespmem:v15+s7+$0x0], $0xffff  }
0x7f: {  	v9 =	vadd.f32 v10, v9  }
0x80: {  	v13 =	vld.idx.msk [tilespmem:v13+s14+$0x0], $0xffff  }
0x81: {  	v9 =	vadd.f32 v11, v9;
	_ =	sdelay $0x1  }
0x82: {  	v9 =	vadd.f32 v12, v9  }
0x83: {  	s0 =	simm.f32 $4.999999890e-03;
	p0 =	slt.u32 s23, $0x19;
	v10 =	vor.u32 $0x800, v8  }
0x84: {  	s0 =	simm.s32 @!p0 $0x0;
	v12 =	vadd.s32 s28, v10;
	v11 =	vadd.f32 v13, v9  }
0x85: {  	v9 =	vmov s0;
	v13 =	vadd.s32 s25, v10  }
0x86: {  	v11 =	vmul.f32 v11, v9  }
0x87: {  	v14 =	vadd.s32 s22, v10  }
0x88: {  	[tilespmem:$0x10080] =	vst v11  }
0x89: {  	v11 =	vld.idx.msk [tilespmem:v12+s3+$0x0], $0xffff;
	v12 =	vadd.s32 s21, v10  }
0x8a: {  	v13 =	vld.idx.msk [tilespmem:v13+s5+$0x0], $0xffff  }
0x8b: {  	v15 =	vadd.s32 s17, v10  }
0x8c: {  	v14 =	vld.idx.msk [tilespmem:v14+s8+$0x0], $0xffff  }
0x8d: {  	v16 =	vadd.s32 s19, v10  }
0x8e: {  	v12 =	vld.idx.msk [tilespmem:v12+s26+$0x0], $0xffff  }
0x8f: {  	v17 =	vadd.s32 s18, v10;
	v11 =	vadd.f32 v13, v11  }
0x90: {  	v13 =	vld.idx.msk [tilespmem:v15+s2+$0x0], $0xffff  }
0x91: {  	v15 =	vadd.s32 s20, v10;
	v11 =	vadd.f32 v14, v11  }
0x92: {  	v14 =	vld.idx.msk [tilespmem:v16+s12+$0x0], $0xffff  }
0x93: {  	v11 =	vadd.f32 v12, v11  }
0x94: {  	v12 =	vld.idx.msk [tilespmem:v17+s7+$0x0], $0xffff  }
0x95: {  	v11 =	vadd.f32 v13, v11  }
0x96: {  	v13 =	vld.idx.msk [tilespmem:v15+s14+$0x0], $0xffff  }
0x97: {  	v11 =	vadd.f32 v14, v11;
	_ =	sdelay $0x1  }
0x98: {  	v12 =	vadd.f32 v12, v11  }
0x99: {  	v11 =	vor.u32 $0x1000, v8  }
0x9a: {  	v12 =	vadd.f32 v13, v12;
	v13 =	vadd.s32 s28, v11  }
0x9b: {  	v14 =	vadd.s32 s25, v11  }
0x9c: {  	v12 =	vmul.f32 v12, v9  }
0x9d: {  	v15 =	vadd.s32 s22, v11  }
0x9e: {  	[tilespmem:$0x10090] =	vst v12  }
0x9f: {  	v12 =	vld.idx.msk [tilespmem:v13+s3+$0x0], $0xffff;
	v13 =	vadd.s32 s21, v11  }
0xa0: {  	v14 =	vld.idx.msk [tilespmem:v14+s5+$0x0], $0xffff  }
0xa1: {  	v16 =	vadd.s32 s17, v11  }
0xa2: {  	v15 =	vld.idx.msk [tilespmem:v15+s8+$0x0], $0xffff  }
0xa3: {  	s29 =	simm.s32 $0x6080;
	v17 =	vadd.s32 s19, v11  }
0xa4: {  	v13 =	vld.idx.msk [tilespmem:v13+s29+$0x0], $0xffff  }
0xa5: {  	v18 =	vadd.s32 s18, v11;
	v12 =	vadd.f32 v14, v12  }
0xa6: {  	v14 =	vld.idx.msk [tilespmem:v16+s2+$0x0], $0xffff  }
0xa7: {  	v16 =	vadd.s32 s20, v11;
	v12 =	vadd.f32 v15, v12  }
0xa8: {  	s30 =	ssub.s32 $0x2, s10;
	v15 =	vld.idx.msk [tilespmem:v17+s12+$0x0], $0xffff  }
0xa9: {  	s31 =	sshrl.u32 s30, $0x1;
	v12 =	vadd.f32 v13, v12  }
0xaa: {  	s0 =	ssub.s32 s30, s31;
	v13 =	vld.idx.msk [tilespmem:v18+s7+$0x0], $0xffff  }
0xab: {  	s0 =	smax.u32 s0, $0x1;
	v12 =	vadd.f32 v14, v12  }
0xac: {  	p0 =	sne.s32 s0, $0x1;
	v16 =	vld.idx.msk [tilespmem:v16+s14+$0x0], $0xffff  }
.Ltmp0:
0xad: {  	v12 =	vadd.f32 v15, v12;
	(pc) =	sbr.rel @!p0 .LBB2_3-.Ltmp0, $4  }
0xae: {  	_ = 	snop  }
0xaf: {  	s11 =	simm.s32 $0x4080;
	s6 =	simm.s32 $0x80;
	s16 =	sadd.s32 $0xFFFFFFFF, s0;
	v15 =	vadd.f32 v13, v12  }
0xb0: {  	s3 =	simm.s32 $0x2080;
	s5 =	simm.s32 $0x6080;
	s8 =	simm.s32 $0x8080;
	v12 =	vor.u32 $0x1800, v8  }
0xb1: {  	s2 =	simm.s32 $0xA080;
	s12 =	simm.s32 $0xC080;
	s7 =	simm.s32 $0xE080;
	v14 =	vadd.s32 s28, v12;
	v13 =	vadd.s32 s25, v12;
	v15 =	vadd.f32 v16, v15  }
0xb2: {  	s4 =	simm.s32 $0x80  }
0xb3: {  	s13 =	simm.s32 $0x8080;
	s14 =	simm.s32 $0xA080;
	s10 =	simm.s32 $0x400  }
.LBB2_2:
0xb4: {  	_ = 	snop  }
0xb5: {  	v15 =	vmul.f32 v15, v9  }
0xb6: {  	v16 =	vadd.s32 s22, v12  }
0xb7: {  	[tilespmem:$0x100A0] =	vst v15  }
0xb8: {  	v17 =	vadd.s32 s21, v12;
	s11 =	simm.s32 $0x2080;
	v14 =	vld.idx.msk [tilespmem:v14+s4+$0x0], $0xffff  }
0xb9: {  	v13 =	vld.idx.msk [tilespmem:v13+s11+$0x0], $0xffff  }
0xba: {  	s12 =	simm.s32 $0x4080;
	v15 =	vadd.s32 s17, v12  }
0xbb: {  	v16 =	vld.idx.msk [tilespmem:v16+s12+$0x0], $0xffff  }
0xbc: {  	v18 =	vadd.s32 s19, v12;
	s8 =	simm.s32 $0x6080  }
0xbd: {  	v17 =	vld.idx.msk [tilespmem:v17+s8+$0x0], $0xffff  }
0xbe: {  	v19 =	vadd.s32 s18, v12;
	v13 =	vadd.f32 v13, v14  }
0xbf: {  	v15 =	vld.idx.msk [tilespmem:v15+s13+$0x0], $0xffff  }
0xc0: {  	v20 =	vadd.s32 s20, v12;
	v13 =	vadd.f32 v16, v13  }
0xc1: {  	v18 =	vld.idx.msk [tilespmem:v18+s14+$0x0], $0xffff  }
0xc2: {  	s7 =	simm.s32 $0xC080;
	v13 =	vadd.f32 v17, v13  }
0xc3: {  	v19 =	vld.idx.msk [tilespmem:v19+s7+$0x0], $0xffff  }
0xc4: {  	s0 =	simm.s32 $0xE080;
	v13 =	vadd.f32 v15, v13  }
0xc5: {  	v14 =	vld.idx.msk [tilespmem:v20+s0+$0x0], $0xffff  }
0xc6: {  	v13 =	vadd.f32 v18, v13;
	_ =	sdelay $0x1  }
0xc7: {  	v13 =	vadd.f32 v19, v13;
	_ =	sdelay $0x1  }
0xc8: {  	v13 =	vadd.f32 v14, v13;
	_ =	sdelay $0x1  }
0xc9: {  	v13 =	vmul.f32 v13, v9  }
0xca: {  	s24 =	rddreg [dreg:$0x6]  }
0xcb: {  	s1 =	rddreg [dreg:$0x5];
	s2 =	simm.s32 $0x0;
	s25 =	simm.s32 $0x2;
	[tilespmem:$0x100B0] =	vst v13  }
0xcc: {  	[hbm4b:s1+s2] =	stream.linear.scatter [tilespmem:s24], [sflag:$0x2], $0x80, $0x38;
	[tilespmem:$0x10100] =	vst v63  }
0xcd: {  	_ =	swait.ge [sflag:s25], $0x80  }
0xce: {  	[sflag:s25] =	ssyncset.done $0x0  }
0xcf: {  	s26 =	rddreg [dreg:$0x4];
	[sflag:s25] =	ssyncadd.s32 $0xFFFFFF80  }
0xd0: {  	[tilespmem:s2], [sflag:$0x2] =	stream.linear.gather [hbm4b:s26+s2], $0x10, $0x38;
	[tilespmem:$0x10100] =	vst v63  }
0xd1: {  	_ =	swait.ge [sflag:s25], $0x10  }
0xd2: {  	[sflag:s25] =	ssyncset.done $0x0  }
0xd3: {  	[sflag:s25] =	ssyncadd.s32 $0xFFFFFFF0  }
0xd4: {  	v13 =	vld [tilespmem:$0x0];
	_ =	sdelay $0x4  }
0xd5: {  	v14 =	vand.u32 v0, v13  }
0xd6: {  	v15 =	vand.u32 v1, v13;
	(xrf0) =	vadd.scan.msk.s32 $0xffff, v14  }
0xd7: {  	v16 =	vand.u32 v2, v13;
	(xrf0) =	vadd.scan.msk.s32 $0xffff, v15  }
0xd8: {  	(xrf0) =	vadd.scan.msk.s32 $0xffff, v16  }
0xd9: {  	v17 =	vand.u32 v3, v13  }
0xda: {  	v56 =	vand.u32 v4, v13;
	v14 =	vand.u32 v6, v13;
	(xrf0) =	vadd.scan.msk.s32 $0xffff, v17  }
0xdb: {  	v57 =	vand.u32 v5, v13;
	v13 =	vand.u32 v7, v13;
	(xrf0) =	vadd.scan.msk.s32 $0xffff, v56  }
0xdc: {  	(xrf0) =	vadd.scan.msk.s32 $0xffff, v57;
	v15, _, _ =	vpop (xrf0)  }
0xdd: {  	(xrf0) =	vadd.scan.msk.s32 $0xffff, v14;
	(v2sf) =	vpush v15, $0xF;
	v14, _, _ =	vpop (xrf0)  }
0xde: {  	(xrf0) =	vadd.scan.msk.s32 $0xffff, v13;
	(v2sf) =	vpush v14, $0xF;
	v13, _, _ =	vpop (xrf0)  }
0xdf: {  	(v2sf) =	vpush v13, $0xF  }
0xe0: {  	v13, _, _ =	vpop (xrf0)  }
0xe1: {  	(v2sf) =	vpush v13, $0xF;
	_ =	sdelay $0x3  }
0xe2: {  	v13, _, _ =	vpop (xrf0)  }
0xe3: {  	v14, _, _ =	vpop (xrf0)  }
0xe4: {  	(v2sf) =	vpush v14, $0xF  }
0xe5: {  	v14, _, _ =	vpop (xrf0)  }
0xe6: {  	(v2sf) =	vpush v14, $0xF;
	_ =	sdelay $0x1  }
0xe7: {  	s23 =	simm.s32 $0x1  }
0xe8: {  	s25 =	simm.s32 $0x1;
	s9 =	rddreg [dreg:$0x1];
	s18 =	spop (v2sf)  }
0xe9: {  	s28 =	sshra.s32 s18, $0x1F;
	s29 =	sand.u32 $0x7F, s18;
	s21 =	spop (v2sf)  }
0xea: {  	p1 =	slt.s32 s18, $0x1;
	p2 =	sne.s32 s29, $0x0;
	s20 =	spop (v2sf)  }
0xeb: {  	s0 =	sshrl.u32 s28, $0x19;
	s30 =	sand.u32 $0x7F, s21;
	p6 =	slt.s32 s21, $0x1  }
0xec: {  	s29 =	simm.s32 $0x1;
	p1 =	por !p1, !p2;
	s22 =	spop (v2sf)  }
0xed: {  	s31 =	sshra.s32 s20, $0x1F;
	s0 =	sadd.s32 s0, s18;
	p5 =	sne.s32 s30, $0x0  }
0xee: {  	s3 =	sand.u32 $0x7F, s20;
	p1 =	por !p1, !p1;
	s17 =	sshrl.u32 s31, $0x19  }
0xef: {  	s0 =	sshrl.u32 s0, $0x7;
	p4 =	sne.s32 s3, $0x0;
	s5 =	sshra.s32 s22, $0x1F  }
0xf0: {  	(v2sf) =	vpush v13, $0xF;
	p3 =	slt.s32 s22, $0x1;
	p5 =	por !p6, !p5;
	p6 =	slt.s32 s20, $0x1  }
0xf1: {  	s31 =	sshra.s32 s21, $0x1F;
	s26 =	sand.u32 $0x7F, s22;
	s23 =	simm.s32 @!p1 $0x0  }
0xf2: {  	s19 =	spop (v2sf);
	s2 =	sadd.s32 s17, s20;
	s17 =	sshrl.u32 s5, $0x19  }
0xf3: {  	p5 =	por !p5, !p5;
	p4 =	por !p6, !p4;
	p6 =	sne.s32 s26, $0x0  }
0xf4: {  	p2 =	slt.s32 s19, $0x1;
	s24 =	spop (v2sf);
	s1 =	sshrl.u32 s2, $0x7  }
0xf5: {  	s0 =	ssub.s32 s0, s23;
	s17 =	sadd.s32 s17, s22;
	s6 =	sand.u32 $0x7F, s19  }
0xf6: {  	s25 =	simm.s32 @!p5 $0x0;
	p4 =	por !p4, !p4;
	p3 =	por !p3, !p6  }
0xf7: {  	s5 =	sshra.s32 s19, $0x1F;
	s28 =	sshrl.u32 s17, $0x7;
	s17 =	sshrl.u32 s31, $0x19  }
0xf8: {  	p1 =	slt.s32 s24, $0x1;
	s29 =	simm.s32 @!p4 $0x0;
	s17 =	sadd.s32 s17, s21  }
0xf9: {  	p3 =	por !p3, !p3;
	s1 =	ssub.s32 s1, s29;
	s17 =	sshrl.u32 s17, $0x7  }
0xfa: {  	s23 =	sshll.u32 s0, $0x7;
	s2 =	ssub.s32 s17, s25;
	s25 =	sshll.u32 s1, $0x7  }
0xfb: {  	s26 =	sshll.u32 s2, $0x7;
	s1 =	sand.u32 $0x1FFFFF80, s25;
	s2 =	sand.u32 $0x7F, s24  }
0xfc: {  	s29 =	sadd.s32 s9, s1;
	s30 =	sand.u32 $0x1FFFFF80, s26;
	s1 =	simm.s32 $0x1  }
0xfd: {  	p4 =	sne.s32 s2, $0x0;
	s30 =	sadd.s32 s9, s30;
	s1 =	simm.s32 @!p3 $0x0  }
0xfe: {  	p1 =	por !p1, !p4;
	s1 =	ssub.s32 s28, s1;
	s28 =	sshrl.u32 s5, $0x19  }
0xff: {  	p1 =	por !p1, !p1;
	s1 =	sshll.u32 s1, $0x7;
	s17 =	spop (v2sf)  }
0x100: {  	s28 =	sadd.s32 s28, s19;
	s5 =	sand.u32 $0x1FFFFF80, s1;
	s3 =	sand.u32 $0x7F, s17  }
0x101: {  	p5 =	slt.s32 s17, $0x1;
	s31 =	sshra.s32 s17, $0x1F;
	p6 =	sne.s32 s3, $0x0  }
0x102: {  	s3 =	sand.u32 $0x1FFFFF80, s23;
	p5 =	por !p5, !p6;
	p6 =	sne.s32 s6, $0x0  }
0x103: {  	s6 =	sshrl.u32 s31, $0x19;
	s31 =	sadd.s32 s9, s3;
	s3 =	simm.s32 $0x7A1400  }
0x104: {  	v14, _, _ =	vpop (xrf0);
	[tilespmem:s4], [sflag:$0x1] =	stream.strided.gather [hbm4b:s31+s10], $0x2000, s3, s10, $0x38;
	[tilespmem:$0x10100] =	vst v63  }
0x105: {  	(v2sf) =	vpush v14, $0xF;
	s0 =	sadd.s32 s6, s17;
	p3 =	por !p5, !p5;
	s31 =	simm.s32 $0x1  }
0x106: {  	p2 =	por !p2, !p6;
	s0 =	sshrl.u32 s0, $0x7;
	s31 =	simm.s32 @!p3 $0x0  }
0x107: {  	[tilespmem:s11], [sflag:$0x1] =	stream.strided.gather [hbm4b:s30+s10], $0x2000, s3, s10, $0x38;
	[tilespmem:$0x10100] =	vst v63  }
0x108: {  	s28 =	sshrl.u32 s28, $0x7;
	p2 =	por !p2, !p2;
	s0 =	ssub.s32 s0, s31  }
0x109: {  	s31 =	simm.s32 $0x1;
	s30 =	sadd.s32 s9, s5;
	s0 =	sshll.u32 s0, $0x7  }
0x10a: {  	s5 =	sshra.s32 s24, $0x1F;
	s31 =	simm.s32 @!p2 $0x0;
	s6 =	sand.u32 $0x1FFFFF80, s0  }
0x10b: {  	[tilespmem:s12], [sflag:$0x1] =	stream.strided.gather [hbm4b:s29+s10], $0x2000, s3, s10, $0x38;
	[tilespmem:$0x10100] =	vst v63  }
0x10c: {  	s28 =	ssub.s32 s28, s31;
	s2 =	sadd.s32 s9, s6;
	s6 =	sshrl.u32 s5, $0x19  }
0x10d: {  	[tilespmem:s8], [sflag:$0x1] =	stream.strided.gather [hbm4b:s30+s10], $0x2000, s3, s10, $0x38;
	[tilespmem:$0x10100] =	vst v63  }
0x10e: {  	s17 =	ssub.s32 s17, s0;
	s0 =	sadd.s32 s6, s24;
	s6 =	simm.s32 $0x1  }
0x10f: {  	s28 =	sshll.u32 s28, $0x7;
	s0 =	sshrl.u32 s0, $0x7;
	s6 =	simm.s32 @!p1 $0x0  }
0x110: {  	s31 =	sand.u32 $0x1FFFFF80, s28;
	s0 =	ssub.s32 s0, s6  }
0x111: {  	[tilespmem:s13], [sflag:$0x1] =	stream.strided.gather [hbm4b:s2+s10], $0x2000, s3, s10, $0x38;
	[tilespmem:$0x10100] =	vst v63  }
0x112: {  	s23 =	ssub.s32 s18, s23;
	s29 =	sadd.s32 s9, s31;
	s0 =	sshll.u32 s0, $0x7  }
0x113: {  	[tilespmem:s14], [sflag:$0x1] =	stream.strided.gather [hbm4b:s29+s10], $0x2000, s3, s10, $0x38;
	[tilespmem:$0x10100] =	vst v63  }
0x114: {  	s18 =	ssub.s32 s24, s0;
	s0 =	sand.u32 $0x1FFFFF80, s0;
	s30 =	spop (v2sf)  }
0x115: {  	s0 =	sadd.s32 s9, s0;
	s5 =	sand.u32 $0x7F, s30  }
0x116: {  	[tilespmem:s7], [sflag:$0x1] =	stream.strided.gather [hbm4b:s0+s10], $0x2000, s3, s10, $0x38;
	[tilespmem:$0x10100] =	vst v63  }
0x117: {  	s31 =	sshra.s32 s30, $0x1F;
	p6 =	slt.s32 s30, $0x1;
	p5 =	sne.s32 s5, $0x0  }
0x118: {  	s31 =	sshrl.u32 s31, $0x19;
	p1 =	por !p6, !p5  }
0x119: {  	s6 =	simm.s32 $0x1;
	s5 =	sadd.s32 s31, s30;
	p1 =	por !p1, !p1  }
0x11a: {  	s5 =	sshrl.u32 s5, $0x7;
	s6 =	simm.s32 @!p1 $0x0  }
0x11b: {  	s6 =	ssub.s32 s5, s6  }
0x11c: {  	s24 =	ssub.s32 s21, s26;
	s26 =	sshll.u32 s6, $0x7  }
0x11d: {  	s19 =	ssub.s32 s19, s28;
	s28 =	sand.u32 $0x1FFFFF80, s26  }
0x11e: {  	s29 =	simm.s32 $0xE080;
	s0 =	sadd.s32 s9, s28  }
0x11f: {  	[tilespmem:s29], [sflag:$0x1] =	stream.strided.gather [hbm4b:s0+s10], $0x2000, s3, s10, $0x38;
	[tilespmem:$0x10100] =	vst v63  }
0x120: {  	_ =	swait.ge [sflag:s15], $0x2000  }
0x121: {  	[sflag:s15] =	ssyncset.done $0x0  }
0x122: {  	[sflag:s15] =	ssyncadd.s32 $0xFFFFE000  }
0x123: {  	_ =	swait.ge [sflag:s15], $0x2000  }
0x124: {  	[sflag:s15] =	ssyncset.done $0x0  }
0x125: {  	[sflag:s15] =	ssyncadd.s32 $0xFFFFE000  }
0x126: {  	_ =	swait.ge [sflag:s15], $0x2000  }
0x127: {  	[sflag:s15] =	ssyncset.done $0x0  }
0x128: {  	[sflag:s15] =	ssyncadd.s32 $0xFFFFE000  }
0x129: {  	_ =	swait.ge [sflag:s15], $0x2000  }
0x12a: {  	[sflag:s15] =	ssyncset.done $0x0  }
0x12b: {  	[sflag:s15] =	ssyncadd.s32 $0xFFFFE000  }
0x12c: {  	_ =	swait.ge [sflag:s15], $0x2000  }
0x12d: {  	[sflag:s15] =	ssyncset.done $0x0  }
0x12e: {  	[sflag:s15] =	ssyncadd.s32 $0xFFFFE000  }
0x12f: {  	_ =	swait.ge [sflag:s15], $0x2000  }
0x130: {  	[sflag:s15] =	ssyncset.done $0x0  }
0x131: {  	[sflag:s15] =	ssyncadd.s32 $0xFFFFE000  }
0x132: {  	_ =	swait.ge [sflag:s15], $0x2000  }
0x133: {  	v13 =	vadd.s32 s23, v8;
	[sflag:s15] =	ssyncset.done $0x0  }
0x134: {  	v14 =	vadd.s32 s24, v8;
	[sflag:s15] =	ssyncadd.s32 $0xFFFFE000  }
0x135: {  	s21 =	ssub.s32 s22, s1;
	s22 =	ssub.s32 s20, s25;
	_ =	swait.ge [sflag:s15], $0x2000  }
0x136: {  	v15 =	vadd.s32 s22, v8;
	[sflag:s15] =	ssyncset.done $0x0  }
0x137: {  	[sflag:s15] =	ssyncadd.s32 $0xFFFFE000  }
0x138: {  	v16 =	vadd.s32 s21, v8;
	v13 =	vld.idx.msk [tilespmem:v13+s4+$0x0], $0xffff  }
0x139: {  	v14 =	vld.idx.msk [tilespmem:v14+s11+$0x0], $0xffff  }
0x13a: {  	v17 =	vadd.s32 s17, v8  }
0x13b: {  	v15 =	vld.idx.msk [tilespmem:v15+s12+$0x0], $0xffff  }
0x13c: {  	v59 =	vadd.s32 s19, v8  }
0x13d: {  	v16 =	vld.idx.msk [tilespmem:v16+s8+$0x0], $0xffff  }
0x13e: {  	v58 =	vadd.s32 s18, v8;
	v13 =	vadd.f32 v14, v13  }
0x13f: {  	s20 =	ssub.s32 s30, s26;
	v14 =	vld.idx.msk [tilespmem:v17+s13+$0x0], $0xffff  }
0x140: {  	v17 =	vadd.s32 s20, v8;
	v13 =	vadd.f32 v15, v13  }
0x141: {  	v15 =	vld.idx.msk [tilespmem:v59+s14+$0x0], $0xffff  }
0x142: {  	v13 =	vadd.f32 v16, v13  }
0x143: {  	v16 =	vld.idx.msk [tilespmem:v58+s7+$0x0], $0xffff  }
0x144: {  	s30 =	simm.s32 $0xE080;
	v13 =	vadd.f32 v14, v13  }
0x145: {  	v14 =	vld.idx.msk [tilespmem:v17+s30+$0x0], $0xffff  }
0x146: {  	v13 =	vadd.f32 v15, v13;
	_ =	sdelay $0x1  }
0x147: {  	v13 =	vadd.f32 v16, v13;
	_ =	sdelay $0x1  }
0x148: {  	v13 =	vadd.f32 v14, v13;
	v14 =	vadd.s32 s23, v10  }
0x149: {  	v15 =	vadd.s32 s24, v10  }
0x14a: {  	v13 =	vmul.f32 v13, v9  }
0x14b: {  	v16 =	vadd.s32 s22, v10  }
0x14c: {  	[tilespmem:$0x10080] =	vst v13  }
0x14d: {  	v13 =	vld.idx.msk [tilespmem:v14+s4+$0x0], $0xffff;
	v14 =	vadd.s32 s21, v10  }
0x14e: {  	v15 =	vld.idx.msk [tilespmem:v15+s11+$0x0], $0xffff  }
0x14f: {  	v17 =	vadd.s32 s17, v10  }
0x150: {  	v16 =	vld.idx.msk [tilespmem:v16+s12+$0x0], $0xffff  }
0x151: {  	v60 =	vadd.s32 s19, v10  }
0x152: {  	v14 =	vld.idx.msk [tilespmem:v14+s8+$0x0], $0xffff  }
0x153: {  	v61 =	vadd.s32 s18, v10;
	v13 =	vadd.f32 v15, v13  }
0x154: {  	v15 =	vld.idx.msk [tilespmem:v17+s13+$0x0], $0xffff  }
0x155: {  	v17 =	vadd.s32 s20, v10;
	v13 =	vadd.f32 v16, v13  }
0x156: {  	v16 =	vld.idx.msk [tilespmem:v60+s14+$0x0], $0xffff  }
0x157: {  	v13 =	vadd.f32 v14, v13  }
0x158: {  	v14 =	vld.idx.msk [tilespmem:v61+s7+$0x0], $0xffff  }
0x159: {  	v13 =	vadd.f32 v15, v13  }
0x15a: {  	v15 =	vld.idx.msk [tilespmem:v17+s30+$0x0], $0xffff  }
0x15b: {  	v13 =	vadd.f32 v16, v13;
	_ =	sdelay $0x1  }
0x15c: {  	v13 =	vadd.f32 v14, v13;
	_ =	sdelay $0x1  }
0x15d: {  	v14 =	vadd.s32 s23, v11;
	v13 =	vadd.f32 v15, v13  }
0x15e: {  	v15 =	vadd.s32 s24, v11  }
0x15f: {  	v13 =	vmul.f32 v13, v9  }
0x160: {  	v16 =	vadd.s32 s22, v11  }
0x161: {  	[tilespmem:$0x10090] =	vst v13  }
0x162: {  	v13 =	vld.idx.msk [tilespmem:v14+s4+$0x0], $0xffff;
	v14 =	vadd.s32 s21, v11  }
0x163: {  	v15 =	vld.idx.msk [tilespmem:v15+s11+$0x0], $0xffff  }
0x164: {  	v17 =	vadd.s32 s17, v11  }
0x165: {  	v16 =	vld.idx.msk [tilespmem:v16+s12+$0x0], $0xffff  }
0x166: {  	v62 =	vadd.s32 s19, v11  }
0x167: {  	v14 =	vld.idx.msk [tilespmem:v14+s8+$0x0], $0xffff  }
0x168: {  	v63 =	vadd.s32 s18, v11;
	v13 =	vadd.f32 v15, v13  }
0x169: {  	v15 =	vld.idx.msk [tilespmem:v17+s13+$0x0], $0xffff  }
0x16a: {  	v17 =	vadd.s32 s20, v11;
	v13 =	vadd.f32 v16, v13  }
0x16b: {  	v16 =	vld.idx.msk [tilespmem:v62+s14+$0x0], $0xffff  }
0x16c: {  	v13 =	vadd.f32 v14, v13  }
0x16d: {  	v14 =	vld.idx.msk [tilespmem:v63+s7+$0x0], $0xffff  }
0x16e: {  	s31 =	simm.s32 $0xE080;
	v13 =	vadd.f32 v15, v13  }
0x16f: {  	p0 =	sne.s32 s16, $0x1;
	v15 =	vld.idx.msk [tilespmem:v17+s31+$0x0], $0xffff  }
.Ltmp1:
0x170: {  	v13 =	vadd.f32 v16, v13;
	(pc) =	sbr.rel @p0 .LBB2_2-.Ltmp1, $4  }
0x171: {  	_ = 	snop  }
0x172: {  	s16 =	sadd.s32 $0xFFFFFFFF, s16;
	s2 =	simm.s32 $0xA080;
	s5 =	simm.s32 $0x6080;
	v13 =	vadd.f32 v14, v13  }
0x173: {  	s6 =	simm.s32 $0x80;
	s3 =	simm.s32 $0x2080;
	s11 =	simm.s32 $0x4080  }
0x174: {  	s12 =	simm.s32 $0xC080;
	s8 =	simm.s32 $0x8080;
	s7 =	simm.s32 $0xE080;
	v14 =	vadd.s32 s23, v12;
	v15 =	vadd.f32 v15, v13;
	v13 =	vadd.s32 s24, v12  }
.LBB2_3:
0x175: {  	_ = 	snop  }
0x176: {  	v0 =	vmul.f32 v15, v9  }
0x177: {  	v1 =	vadd.s32 s22, v12  }
0x178: {  	[tilespmem:$0x100A0] =	vst v0  }
0x179: {  	v58 =	vadd.s32 s21, v12;
	v2 =	vld.idx.msk [tilespmem:v14+s6+$0x0], $0xffff  }
0x17a: {  	v3 =	vld.idx.msk [tilespmem:v13+s3+$0x0], $0xffff  }
0x17b: {  	v4 =	vadd.s32 s17, v12  }
0x17c: {  	v1 =	vld.idx.msk [tilespmem:v1+s11+$0x0], $0xffff  }
0x17d: {  	v5 =	vadd.s32 s19, v12  }
0x17e: {  	v0 =	vld.idx.msk [tilespmem:v58+s5+$0x0], $0xffff  }
0x17f: {  	v6 =	vadd.s32 s18, v12;
	v2 =	vadd.f32 v3, v2  }
0x180: {  	v59 =	vld.idx.msk [tilespmem:v4+s8+$0x0], $0xffff  }
0x181: {  	v60 =	vadd.s32 s20, v12;
	v1 =	vadd.f32 v1, v2  }
0x182: {  	v61 =	vld.idx.msk [tilespmem:v5+s2+$0x0], $0xffff  }
0x183: {  	v0 =	vadd.f32 v0, v1  }
0x184: {  	v62 =	vld.idx.msk [tilespmem:v6+s12+$0x0], $0xffff  }
0x185: {  	v0 =	vadd.f32 v59, v0  }
0x186: {  	v63 =	vld.idx.msk [tilespmem:v60+s7+$0x0], $0xffff  }
0x187: {  	v0 =	vadd.f32 v61, v0;
	_ =	sdelay $0x1  }
0x188: {  	v0 =	vadd.f32 v62, v0;
	_ =	sdelay $0x1  }
0x189: {  	v0 =	vadd.f32 v63, v0;
	_ =	sdelay $0x1  }
0x18a: {  	v0 =	vmul.f32 v0, v9  }
0x18b: {  	s0 =	rddreg [dreg:$0x6]  }
0x18c: {  	s1 =	rddreg [dreg:$0x5];
	s29 =	simm.s32 $0x0;
	s30 =	simm.s32 $0x2;
	[tilespmem:$0x100B0] =	vst v0  }
0x18d: {  	[hbm4b:s1+s29] =	stream.linear.scatter [tilespmem:s0], [sflag:$0x2], $0x80, $0x38;
	[tilespmem:$0x10100] =	vst v63  }
0x18e: {  	_ =	swait.ge [sflag:s30], $0x80  }
0x18f: {  	[sflag:s30] =	ssyncset.done $0x0  }
0x190: {  	[sflag:s30] =	ssyncadd.s32 $0xFFFFFF80  }
0x191: {  	_ =	sfence.sel $0x180000  }
0x192: {  	[bflag:$0x0] =	sbarrier.arrive $0xFFFF  }
0x193: {  	_ =	strace $0x90000047  }
0x194: {  	s31 =	stileid.u32;
	[bflag:$0x2] =	sbarrier.arrive $0xFFFF  }
0x195: {  	p0 =	sne.s32 s31, $0x0;
	s0 =	rddreg [dreg:$0x3]  }
0x196: {  	s0 =	sadd.s32 @!p0 $0x100000, s0  }
0x197: {  	[sflag:s0] =	ssyncadd.tile.s32 @!p0 $0x1;
	_ =	shalt  }
.Lfunc_end2:
_tile_overlayer_lowered:
.L_overlay_start_2:
0x198: {  	(tag) =	ssettag $0x2  }
0x199: {  	s0 =	rddreg [dreg:$0x0];
	s2 =	stileid.u32  }
0x19a: {  	s1 =	rddreg [dreg:$0x1];
	p0 =	sne.s32 s2, $0x0  }
0x19b: {  	s3 =	rddreg [dreg:$0x2];
	[bflag:$0x3] =	sbarrier.arrive $0xFFFF;
	s2 =	simm.s32 @!p0 $0x1C02  }
0x19c: {  	[timem:s3], [sflag:s2] =	dma.local @!p0 [hbm:s0], s1  }
0x19d: {  	s0 =	simm.s32 @!p0 $0x2  }
0x19e: {  	_ =	swait.ge @!p0 [sflag:s0], s1  }
0x19f: {  	s1 =	ssub.s32 @!p0 $0x0, s1;
	[sflag:s0] =	ssyncset.done @!p0 $0x0  }
0x1a0: {  	[sflag:s0] =	ssyncadd.s32 @!p0 s1  }
0x1a1: {  	[bflag:$0x3] =	sbarrier.arrive $0xFFFF  }
0x1a2: {  	_ =	shalt  }

</sc_bundles>
